<compile_context>
chip_gen: v7x
topology: tpu7x:2x2x1
jax: 0.10.2.dev20260603
libtpu: 0.0.44.dev20260713+nightly
codegen_flags: <defaults>
</compile_context>

<pallas_src>
import jax
import jax.numpy as jnp
from jax import lax
from jax.experimental import pallas as pl
from jax.experimental.pallas import tpu as pltpu
from jax.experimental.pallas import tpu_sc as plsc

BATCH = 16384
HIST = 200
OUT_H = 199
D = 32
FG = 4
FI = 8
BI = 128
L = 16

_info = plsc.get_sparse_core_info()
_NC = _info.num_cores
_NS = _info.num_subcores
_NW = _NC * _NS
_NBG = BATCH // BI
_BG_PER_W = _NBG // _NW


def _embed_body(idx_hbm, table_hbm, out_hbm,
                idx_v, idx_T, rows_v, tile_v, sem_g0, sem_g1,
                sem_g2, sem_g3, sem_o0, sem_o1, sem_i):
    wid = lax.axis_index("s") * _NC + lax.axis_index("c")
    sem_g = (sem_g0, sem_g1, sem_g2, sem_g3)
    sem_o = (sem_o0, sem_o1)
    lane = jnp.arange(L, dtype=jnp.int32)

    def transpose_idx_block():
        chunk_starts = [c * L for c in range(HIST // L)] + [HIST - L]

        @plsc.parallel_loop(0, BI, unroll=4)
        def _(b):
            for c0 in chunk_starts:
                v = idx_v[b, pl.ds(c0, L)]
                plsc.store_scatter(idx_T, [lane128 + (c0 * BI) + b], v)

    def gather_copy(t, buf):
        return pltpu.make_async_copy(
            table_hbm.at[idx_T.at[pl.ds(t * BI, BI)]],
            rows_v.at[buf], sem_g[buf])

    lane128 = lane * BI

    def transpose_block(rbuf, tbuf):
        @plsc.parallel_loop(0, BI, unroll=8)
        def _(r):
            iv0 = lane128 + r
            v0 = rows_v[rbuf, r, pl.ds(0, L)]
            plsc.store_scatter(tile_v.at[tbuf], [iv0], v0)
            iv1 = iv0 + (L * BI)
            v1 = rows_v[rbuf, r, pl.ds(L, L)]
            plsc.store_scatter(tile_v.at[tbuf], [iv1], v1)

    def out_copies(t, bg, buf):
        for fg in range(FG):
            off = ((t * FG + fg) * _NBG + bg) * (FI * BI)
            yield pltpu.make_async_copy(
                tile_v.at[buf, pl.ds(fg * FI * BI, FI * BI)],
                out_hbm.at[pl.ds(off, FI * BI)], sem_o[buf])

    def out_drain(t, bg, buf):
        pltpu.make_async_copy(
            tile_v.at[buf],
            out_hbm.at[pl.ds((t * FG * _NBG + bg) * (FI * BI),
                             FG * FI * BI)],
            sem_o[buf]).wait()

    def per_bg(bgi, carry):
        bg = wid * _BG_PER_W + bgi
        pltpu.make_async_copy(
            idx_hbm.at[pl.ds(bg * BI, BI)], idx_v, sem_i).start()
        pltpu.make_async_copy(
            idx_hbm.at[pl.ds(bg * BI, BI)], idx_v, sem_i).wait()
        transpose_idx_block()
        for p in range(3):
            gather_copy(p, p).start()

        def per_t4(gg, c):
            for j4 in range(4):
                t = 4 * gg + j4

                @pl.when(t < OUT_H)
                def _():
                    @pl.when(t + 3 < OUT_H)
                    def _():
                        gather_copy(t + 3, (j4 + 3) % 4).start()
                    gather_copy(t, j4).wait()

                    @pl.when(t >= 2)
                    def _():
                        out_drain(t - 2, bg, j4 % 2)
                    for cp in out_copies(t, bg, j4 % 2):
                        cp.start()
            return c

        lax.fori_loop(0, (OUT_H + 3) // 4, per_t4, 0)
        out_drain(OUT_H - 2, bg, 1)
        out_drain(OUT_H - 1, bg, 0)
        return carry

    lax.fori_loop(0, _BG_PER_W, per_bg, 0)


def kernel(order_feat, embed_table):
    k = pl.kernel(
        _embed_body,
        out_type=jax.ShapeDtypeStruct((OUT_H * FG * _NBG * FI * BI,),
                                      jnp.float32),
        mesh=plsc.VectorSubcoreMesh(core_axis_name="c", subcore_axis_name="s"),
        scratch_types=[
            pltpu.VMEM((BI, HIST), jnp.int32),
            pltpu.VMEM((HIST * BI,), jnp.int32),
            pltpu.VMEM((4, BI, D), jnp.float32),
            pltpu.VMEM((2, FG * FI * BI), jnp.float32),
            pltpu.SemaphoreType.DMA,
            pltpu.SemaphoreType.DMA,
            pltpu.SemaphoreType.DMA,
            pltpu.SemaphoreType.DMA,
            pltpu.SemaphoreType.DMA,
            pltpu.SemaphoreType.DMA,
            pltpu.SemaphoreType.DMA,
        ],
        compiler_params=pltpu.CompilerParams(use_tc_tiling_on_sc=False,
                                             needs_layout_passes=False),
    )
    out5 = k(order_feat, embed_table).reshape(OUT_H, FG, _NBG, FI, BI)
    return out5.transpose(2, 4, 0, 1, 3).reshape(BATCH, OUT_H, D)

# --- scband reference (transcript-rebuilt; emitter-appended) ---
"""Pipeline reference for scband-order-embed-layer-57836029608032 (READ-ONLY COPY).

The authoritative reference and input builder live on the scoring server;
editing this copy changes nothing except your own understanding.
"""

import jax, jax.numpy as jnp
import numpy as np

ORDER_DICT_SIZE = 1000000
EMBED_DIM1 = 32
BATCH = 16384
HIST_LEN = 200

def setup_inputs(seed: int = 0) -> dict:
    key = jax.random.key(seed)
    k_idx, k_tab = jax.random.split(key)
    order_feat = jax.random.randint(k_idx, (BATCH, HIST_LEN), 0, ORDER_DICT_SIZE, dtype=jnp.int64 if jax.config.jax_enable_x64 else jnp.int32).astype(jnp.int32)
    # TruncatedNormal(stddev=0.02) initializer approximated with truncated normal
    embed_table = (jax.random.truncated_normal(k_tab, -2.0, 2.0, (ORDER_DICT_SIZE, EMBED_DIM1), dtype=jnp.float32) * 0.02)
    return {"order_feat": order_feat, "embed_table": embed_table}

def reference(order_feat, embed_table):
    # call(): item_embedding = self.embed_order(order_feat[:, :-1])
    idx = order_feat[:, :-1]
    item_embedding = jnp.take(embed_table, idx, axis=0)
    return item_embedding

if __name__ == "__main__":
    import jax
    _d = setup_inputs()
    print(jax.jit(kernel)(*tuple(_d.values())))

</pallas_src>

<mosaic_0001>
#map = affine_map<(d0, d1) -> (0, 0)>
#map1 = affine_map<(d0, d1) -> (0)>
module attributes {stable_mosaic.version = 14 : i64} {
  func.func @_embed_body(%arg0: i32, %arg1: i32, %arg2: memref<16384x200xi32, #tpu.memory_space<hbm>>, %arg3: memref<1000000x32xf32, #tpu.memory_space<hbm>>, %arg4: memref<104333312xf32, #tpu.memory_space<hbm>>, %arg5: memref<128x200xi32, #tpu.memory_space<vmem>>, %arg6: memref<25600xi32, #tpu.memory_space<vmem>>, %arg7: memref<4x128x32xf32, #tpu.memory_space<vmem>>, %arg8: memref<2x4096xf32, #tpu.memory_space<vmem>>, %arg9: memref<!tpu.dma_semaphore, #tpu.memory_space<semaphore_mem>>, %arg10: memref<!tpu.dma_semaphore, #tpu.memory_space<semaphore_mem>>, %arg11: memref<!tpu.dma_semaphore, #tpu.memory_space<semaphore_mem>>, %arg12: memref<!tpu.dma_semaphore, #tpu.memory_space<semaphore_mem>>, %arg13: memref<!tpu.dma_semaphore, #tpu.memory_space<semaphore_mem>>, %arg14: memref<!tpu.dma_semaphore, #tpu.memory_space<semaphore_mem>>, %arg15: memref<!tpu.dma_semaphore, #tpu.memory_space<semaphore_mem>>) attributes {dimension_semantics = [#tpu.dimension_semantics<core_parallel>, #tpu.dimension_semantics<subcore_parallel>], iteration_bounds = array<i64: 2, 16>, scalar_prefetch = 0 : i64, scratch_operands = 11 : i64, tpu.core_type = #tpu.core_type<sc_vector_subcore>, window_params = [{transform_indices = #map}, {transform_indices = #map}, {transform_indices = #map1}]} {
    %mul3A = arith.constant 2 : i32
    %mul3A_0 = arith.muli %arg1, %mul3A : i32
    %add3A = arith.addi %mul3A_0, %arg0 : i32
    %iota3A = tpu.iota {dimensions = array<i32: 0>} : vector<16xi32>
    %mul3A_1 = arith.constant 128 : i32
    %mul3A_2 = vector.broadcast %mul3A_1 : i32 to vector<16xi32>
    %mul3A_3 = arith.muli %iota3A, %mul3A_2 : vector<16xi32>
    %scan3A = arith.constant 0 : i32
    %scan3A_4 = arith.constant 0 : i32
    %scan3A_5 = arith.constant 4 : i32
    %scan3A_6 = arith.addi %scan3A_4, %scan3A_5 : i32
    %scan3A_7 = arith.constant 1 : i32
    scf.for %scan3A_9 = %scan3A_4 to %scan3A_6 step %scan3A_7  : i32 {
      %mul3A_10 = arith.constant 4 : i32
      %mul3A_11 = arith.muli %add3A, %mul3A_10 : i32
      %add3A_12 = arith.addi %mul3A_11, %scan3A_9 : i32
      %mul3A_13 = arith.constant 128 : i32
      %mul3A_14 = arith.muli %add3A_12, %mul3A_13 : i32
      %dma_start3A = arith.constant 0 : i32
      %dma_start3A_15 = tpu.memref_slice %arg2[%mul3A_14, %dma_start3A] : memref<16384x200xi32, #tpu.memory_space<hbm>> -> memref<128x200xi32, #tpu.memory_space<hbm>>
      %dma_start3A_16 = arith.constant 0 : i32
      %dma_start3A_17 = tpu.memref_slice %arg2[%mul3A_14, %dma_start3A_16] : memref<16384x200xi32, #tpu.memory_space<hbm>> -> memref<128x200xi32, #tpu.memory_space<hbm>>
      tpu.enqueue_dma source(%dma_start3A_17 : memref<128x200xi32, #tpu.memory_space<hbm>>) target(%arg5 : memref<128x200xi32, #tpu.memory_space<vmem>>) target_semaphore(%arg15 : memref<!tpu.dma_semaphore, #tpu.memory_space<semaphore_mem>>)
      %mul3A_18 = arith.constant 128 : i32
      %mul3A_19 = arith.muli %add3A_12, %mul3A_18 : i32
      %dma_wait3A = arith.constant 0 : i32
      %dma_wait3A_20 = tpu.memref_slice %arg2[%mul3A_19, %dma_wait3A] : memref<16384x200xi32, #tpu.memory_space<hbm>> -> memref<128x200xi32, #tpu.memory_space<hbm>>
      %dma_wait3A_21 = arith.constant 0 : i32
      %dma_wait3A_22 = tpu.memref_slice %arg2[%mul3A_19, %dma_wait3A_21] : memref<16384x200xi32, #tpu.memory_space<hbm>> -> memref<128x200xi32, #tpu.memory_space<hbm>>
      tpu.wait_dma2 semaphore(%arg15 : memref<!tpu.dma_semaphore, #tpu.memory_space<semaphore_mem>>) src(%dma_wait3A_22 : memref<128x200xi32, #tpu.memory_space<hbm>>) dst(%arg5 : memref<128x200xi32, #tpu.memory_space<vmem>>)
      %parallel_loop3A = arith.constant 0 : i32
      %parallel_loop3A_23 = arith.constant 128 : i32
      %parallel_loop3A_24 = arith.constant 1 : i32
      scf.for %parallel_loop3A_87 = %parallel_loop3A to %parallel_loop3A_23 step %parallel_loop3A_24  : i32 {
        %parallel_loop3A_88 = arith.index_cast %parallel_loop3A_87 : i32 to index
        %parallel_loop3A_89 = arith.constant 0 : index
        %parallel_loop3A_90 = tpu.vector_load %arg5[%parallel_loop3A_88, %parallel_loop3A_89] {strides = array<i32>} : memref<128x200xi32, #tpu.memory_space<vmem>>, vector<16xi32>,
        %parallel_loop3A_91 = arith.constant 0 : i32
        %parallel_loop3A_92 = vector.broadcast %parallel_loop3A_91 : i32 to vector<16xi32>
        %parallel_loop3A_93 = arith.addi %mul3A_3, %parallel_loop3A_92 : vector<16xi32>
        %parallel_loop3A_94 = vector.broadcast %parallel_loop3A_87 : i32 to vector<16xi32>
        %parallel_loop3A_95 = arith.addi %parallel_loop3A_93, %parallel_loop3A_94 : vector<16xi32>
        tpu.vector_store_idx %arg6[%parallel_loop3A_95], %parallel_loop3A_90 : memref<25600xi32, #tpu.memory_space<vmem>>[vector<16xi32>], vector<16xi32>,
        %parallel_loop3A_96 = arith.index_cast %parallel_loop3A_87 : i32 to index
        %parallel_loop3A_97 = arith.constant 16 : index
        %parallel_loop3A_98 = tpu.vector_load %arg5[%parallel_loop3A_96, %parallel_loop3A_97] {strides = array<i32>} : memref<128x200xi32, #tpu.memory_space<vmem>>, vector<16xi32>,
        %parallel_loop3A_99 = arith.constant 2048 : i32
        %parallel_loop3A_100 = vector.broadcast %parallel_loop3A_99 : i32 to vector<16xi32>
        %parallel_loop3A_101 = arith.addi %mul3A_3, %parallel_loop3A_100 : vector<16xi32>
        %parallel_loop3A_102 = vector.broadcast %parallel_loop3A_87 : i32 to vector<16xi32>
        %parallel_loop3A_103 = arith.addi %parallel_loop3A_101, %parallel_loop3A_102 : vector<16xi32>
        tpu.vector_store_idx %arg6[%parallel_loop3A_103], %parallel_loop3A_98 : memref<25600xi32, #tpu.memory_space<vmem>>[vector<16xi32>], vector<16xi32>,
        %parallel_loop3A_104 = arith.index_cast %parallel_loop3A_87 : i32 to index
        %parallel_loop3A_105 = arith.constant 32 : index
        %parallel_loop3A_106 = tpu.vector_load %arg5[%parallel_loop3A_104, %parallel_loop3A_105] {strides = array<i32>} : memref<128x200xi32, #tpu.memory_space<vmem>>, vector<16xi32>,
        %parallel_loop3A_107 = arith.constant 4096 : i32
        %parallel_loop3A_108 = vector.broadcast %parallel_loop3A_107 : i32 to vector<16xi32>
        %parallel_loop3A_109 = arith.addi %mul3A_3, %parallel_loop3A_108 : vector<16xi32>
        %parallel_loop3A_110 = vector.broadcast %parallel_loop3A_87 : i32 to vector<16xi32>
        %parallel_loop3A_111 = arith.addi %parallel_loop3A_109, %parallel_loop3A_110 : vector<16xi32>
        tpu.vector_store_idx %arg6[%parallel_loop3A_111], %parallel_loop3A_106 : memref<25600xi32, #tpu.memory_space<vmem>>[vector<16xi32>], vector<16xi32>,
        %parallel_loop3A_112 = arith.index_cast %parallel_loop3A_87 : i32 to index
        %parallel_loop3A_113 = arith.constant 48 : index
        %parallel_loop3A_114 = tpu.vector_load %arg5[%parallel_loop3A_112, %parallel_loop3A_113] {strides = array<i32>} : memref<128x200xi32, #tpu.memory_space<vmem>>, vector<16xi32>,
        %parallel_loop3A_115 = arith.constant 6144 : i32
        %parallel_loop3A_116 = vector.broadcast %parallel_loop3A_115 : i32 to vector<16xi32>
        %parallel_loop3A_117 = arith.addi %mul3A_3, %parallel_loop3A_116 : vector<16xi32>
        %parallel_loop3A_118 = vector.broadcast %parallel_loop3A_87 : i32 to vector<16xi32>
        %parallel_loop3A_119 = arith.addi %parallel_loop3A_117, %parallel_loop3A_118 : vector<16xi32>
        tpu.vector_store_idx %arg6[%parallel_loop3A_119], %parallel_loop3A_114 : memref<25600xi32, #tpu.memory_space<vmem>>[vector<16xi32>], vector<16xi32>,
        %parallel_loop3A_120 = arith.index_cast %parallel_loop3A_87 : i32 to index
        %parallel_loop3A_121 = arith.constant 64 : index
        %parallel_loop3A_122 = tpu.vector_load %arg5[%parallel_loop3A_120, %parallel_loop3A_121] {strides = array<i32>} : memref<128x200xi32, #tpu.memory_space<vmem>>, vector<16xi32>,
        %parallel_loop3A_123 = arith.constant 8192 : i32
        %parallel_loop3A_124 = vector.broadcast %parallel_loop3A_123 : i32 to vector<16xi32>
        %parallel_loop3A_125 = arith.addi %mul3A_3, %parallel_loop3A_124 : vector<16xi32>
        %parallel_loop3A_126 = vector.broadcast %parallel_loop3A_87 : i32 to vector<16xi32>
        %parallel_loop3A_127 = arith.addi %parallel_loop3A_125, %parallel_loop3A_126 : vector<16xi32>
        tpu.vector_store_idx %arg6[%parallel_loop3A_127], %parallel_loop3A_122 : memref<25600xi32, #tpu.memory_space<vmem>>[vector<16xi32>], vector<16xi32>,
        %parallel_loop3A_128 = arith.index_cast %parallel_loop3A_87 : i32 to index
        %parallel_loop3A_129 = arith.constant 80 : index
        %parallel_loop3A_130 = tpu.vector_load %arg5[%parallel_loop3A_128, %parallel_loop3A_129] {strides = array<i32>} : memref<128x200xi32, #tpu.memory_space<vmem>>, vector<16xi32>,
        %parallel_loop3A_131 = arith.constant 10240 : i32
        %parallel_loop3A_132 = vector.broadcast %parallel_loop3A_131 : i32 to vector<16xi32>
        %parallel_loop3A_133 = arith.addi %mul3A_3, %parallel_loop3A_132 : vector<16xi32>
        %parallel_loop3A_134 = vector.broadcast %parallel_loop3A_87 : i32 to vector<16xi32>
        %parallel_loop3A_135 = arith.addi %parallel_loop3A_133, %parallel_loop3A_134 : vector<16xi32>
        tpu.vector_store_idx %arg6[%parallel_loop3A_135], %parallel_loop3A_130 : memref<25600xi32, #tpu.memory_space<vmem>>[vector<16xi32>], vector<16xi32>,
        %parallel_loop3A_136 = arith.index_cast %parallel_loop3A_87 : i32 to index
        %parallel_loop3A_137 = arith.constant 96 : index
        %parallel_loop3A_138 = tpu.vector_load %arg5[%parallel_loop3A_136, %parallel_loop3A_137] {strides = array<i32>} : memref<128x200xi32, #tpu.memory_space<vmem>>, vector<16xi32>,
        %parallel_loop3A_139 = arith.constant 12288 : i32
        %parallel_loop3A_140 = vector.broadcast %parallel_loop3A_139 : i32 to vector<16xi32>
        %parallel_loop3A_141 = arith.addi %mul3A_3, %parallel_loop3A_140 : vector<16xi32>
        %parallel_loop3A_142 = vector.broadcast %parallel_loop3A_87 : i32 to vector<16xi32>
        %parallel_loop3A_143 = arith.addi %parallel_loop3A_141, %parallel_loop3A_142 : vector<16xi32>
        tpu.vector_store_idx %arg6[%parallel_loop3A_143], %parallel_loop3A_138 : memref<25600xi32, #tpu.memory_space<vmem>>[vector<16xi32>], vector<16xi32>,
        %parallel_loop3A_144 = arith.index_cast %parallel_loop3A_87 : i32 to index
        %parallel_loop3A_145 = arith.constant 112 : index
        %parallel_loop3A_146 = tpu.vector_load %arg5[%parallel_loop3A_144, %parallel_loop3A_145] {strides = array<i32>} : memref<128x200xi32, #tpu.memory_space<vmem>>, vector<16xi32>,
        %parallel_loop3A_147 = arith.constant 14336 : i32
        %parallel_loop3A_148 = vector.broadcast %parallel_loop3A_147 : i32 to vector<16xi32>
        %parallel_loop3A_149 = arith.addi %mul3A_3, %parallel_loop3A_148 : vector<16xi32>
        %parallel_loop3A_150 = vector.broadcast %parallel_loop3A_87 : i32 to vector<16xi32>
        %parallel_loop3A_151 = arith.addi %parallel_loop3A_149, %parallel_loop3A_150 : vector<16xi32>
        tpu.vector_store_idx %arg6[%parallel_loop3A_151], %parallel_loop3A_146 : memref<25600xi32, #tpu.memory_space<vmem>>[vector<16xi32>], vector<16xi32>,
        %parallel_loop3A_152 = arith.index_cast %parallel_loop3A_87 : i32 to index
        %parallel_loop3A_153 = arith.constant 128 : index
        %parallel_loop3A_154 = tpu.vector_load %arg5[%parallel_loop3A_152, %parallel_loop3A_153] {strides = array<i32>} : memref<128x200xi32, #tpu.memory_space<vmem>>, vector<16xi32>,
        %parallel_loop3A_155 = arith.constant 16384 : i32
        %parallel_loop3A_156 = vector.broadcast %parallel_loop3A_155 : i32 to vector<16xi32>
        %parallel_loop3A_157 = arith.addi %mul3A_3, %parallel_loop3A_156 : vector<16xi32>
        %parallel_loop3A_158 = vector.broadcast %parallel_loop3A_87 : i32 to vector<16xi32>
        %parallel_loop3A_159 = arith.addi %parallel_loop3A_157, %parallel_loop3A_158 : vector<16xi32>
        tpu.vector_store_idx %arg6[%parallel_loop3A_159], %parallel_loop3A_154 : memref<25600xi32, #tpu.memory_space<vmem>>[vector<16xi32>], vector<16xi32>,
        %parallel_loop3A_160 = arith.index_cast %parallel_loop3A_87 : i32 to index
        %parallel_loop3A_161 = arith.constant 144 : index
        %parallel_loop3A_162 = tpu.vector_load %arg5[%parallel_loop3A_160, %parallel_loop3A_161] {strides = array<i32>} : memref<128x200xi32, #tpu.memory_space<vmem>>, vector<16xi32>,
        %parallel_loop3A_163 = arith.constant 18432 : i32
        %parallel_loop3A_164 = vector.broadcast %parallel_loop3A_163 : i32 to vector<16xi32>
        %parallel_loop3A_165 = arith.addi %mul3A_3, %parallel_loop3A_164 : vector<16xi32>
        %parallel_loop3A_166 = vector.broadcast %parallel_loop3A_87 : i32 to vector<16xi32>
        %parallel_loop3A_167 = arith.addi %parallel_loop3A_165, %parallel_loop3A_166 : vector<16xi32>
        tpu.vector_store_idx %arg6[%parallel_loop3A_167], %parallel_loop3A_162 : memref<25600xi32, #tpu.memory_space<vmem>>[vector<16xi32>], vector<16xi32>,
        %parallel_loop3A_168 = arith.index_cast %parallel_loop3A_87 : i32 to index
        %parallel_loop3A_169 = arith.constant 160 : index
        %parallel_loop3A_170 = tpu.vector_load %arg5[%parallel_loop3A_168, %parallel_loop3A_169] {strides = array<i32>} : memref<128x200xi32, #tpu.memory_space<vmem>>, vector<16xi32>,
        %parallel_loop3A_171 = arith.constant 20480 : i32
        %parallel_loop3A_172 = vector.broadcast %parallel_loop3A_171 : i32 to vector<16xi32>
        %parallel_loop3A_173 = arith.addi %mul3A_3, %parallel_loop3A_172 : vector<16xi32>
        %parallel_loop3A_174 = vector.broadcast %parallel_loop3A_87 : i32 to vector<16xi32>
        %parallel_loop3A_175 = arith.addi %parallel_loop3A_173, %parallel_loop3A_174 : vector<16xi32>
        tpu.vector_store_idx %arg6[%parallel_loop3A_175], %parallel_loop3A_170 : memref<25600xi32, #tpu.memory_space<vmem>>[vector<16xi32>], vector<16xi32>,
        %parallel_loop3A_176 = arith.index_cast %parallel_loop3A_87 : i32 to index
        %parallel_loop3A_177 = arith.constant 176 : index
        %parallel_loop3A_178 = tpu.vector_load %arg5[%parallel_loop3A_176, %parallel_loop3A_177] {strides = array<i32>} : memref<128x200xi32, #tpu.memory_space<vmem>>, vector<16xi32>,
        %parallel_loop3A_179 = arith.constant 22528 : i32
        %parallel_loop3A_180 = vector.broadcast %parallel_loop3A_179 : i32 to vector<16xi32>
        %parallel_loop3A_181 = arith.addi %mul3A_3, %parallel_loop3A_180 : vector<16xi32>
        %parallel_loop3A_182 = vector.broadcast %parallel_loop3A_87 : i32 to vector<16xi32>
        %parallel_loop3A_183 = arith.addi %parallel_loop3A_181, %parallel_loop3A_182 : vector<16xi32>
        tpu.vector_store_idx %arg6[%parallel_loop3A_183], %parallel_loop3A_178 : memref<25600xi32, #tpu.memory_space<vmem>>[vector<16xi32>], vector<16xi32>,
        %parallel_loop3A_184 = arith.index_cast %parallel_loop3A_87 : i32 to index
        %parallel_loop3A_185 = arith.constant 184 : index
        %parallel_loop3A_186 = tpu.vector_load %arg5[%parallel_loop3A_184, %parallel_loop3A_185] {strides = array<i32>} : memref<128x200xi32, #tpu.memory_space<vmem>>, vector<16xi32>,
        %parallel_loop3A_187 = arith.constant 23552 : i32
        %parallel_loop3A_188 = vector.broadcast %parallel_loop3A_187 : i32 to vector<16xi32>
        %parallel_loop3A_189 = arith.addi %mul3A_3, %parallel_loop3A_188 : vector<16xi32>
        %parallel_loop3A_190 = vector.broadcast %parallel_loop3A_87 : i32 to vector<16xi32>
        %parallel_loop3A_191 = arith.addi %parallel_loop3A_189, %parallel_loop3A_190 : vector<16xi32>
        tpu.vector_store_idx %arg6[%parallel_loop3A_191], %parallel_loop3A_186 : memref<25600xi32, #tpu.memory_space<vmem>>[vector<16xi32>], vector<16xi32>,
      } {sc.loop_unroll_factor = 4 : i64, sc.parallel_access}
      %dma_start3A_25 = arith.constant 0 : i32
      %dma_start3A_26 = arith.constant 0 : i32
      %dma_start3A_27 = arith.constant 0 : i32
      %dma_start3A_28 = tpu.memref_slice %arg7[%dma_start3A_25, %dma_start3A_26, %dma_start3A_27] : memref<4x128x32xf32, #tpu.memory_space<vmem>> -> memref<1x128x32xf32, #tpu.memory_space<vmem>>
      %dma_start3A_29 = tpu.memref_squeeze %dma_start3A_28 : memref<1x128x32xf32, #tpu.memory_space<vmem>> -> memref<128x32xf32, #tpu.memory_space<vmem>>
      %dma_start3A_30 = arith.constant 0 : i32
      %dma_start3A_31 = tpu.memref_slice %arg6[%dma_start3A_30] : memref<25600xi32, #tpu.memory_space<vmem>> -> memref<128xi32, #tpu.memory_space<vmem>>
      %dma_start3A_32 = arith.constant 0 : i32
      %dma_start3A_33 = arith.constant 0 : i32
      %dma_start3A_34 = tpu.memref_slice %arg3[%dma_start3A_32, %dma_start3A_33] : memref<1000000x32xf32, #tpu.memory_space<hbm>> -> memref<1000000x32xf32, #tpu.memory_space<hbm>>
      tpu.enqueue_indirect_dma source(%dma_start3A_34 : memref<1000000x32xf32, #tpu.memory_space<hbm>>) target(%dma_start3A_29 : memref<128x32xf32, #tpu.memory_space<vmem>>) offsets(%dma_start3A_31 : memref<128xi32, #tpu.memory_space<vmem>>) semaphore(%arg9 : memref<!tpu.dma_semaphore, #tpu.memory_space<semaphore_mem>>)
      %dma_start3A_35 = arith.constant 1 : i32
      %dma_start3A_36 = arith.constant 0 : i32
      %dma_start3A_37 = arith.constant 0 : i32
      %dma_start3A_38 = tpu.memref_slice %arg7[%dma_start3A_35, %dma_start3A_36, %dma_start3A_37] : memref<4x128x32xf32, #tpu.memory_space<vmem>> -> memref<1x128x32xf32, #tpu.memory_space<vmem>>
      %dma_start3A_39 = tpu.memref_squeeze %dma_start3A_38 : memref<1x128x32xf32, #tpu.memory_space<vmem>> -> memref<128x32xf32, #tpu.memory_space<vmem>>
      %dma_start3A_40 = arith.constant 128 : i32
      %dma_start3A_41 = tpu.memref_slice %arg6[%dma_start3A_40] : memref<25600xi32, #tpu.memory_space<vmem>> -> memref<128xi32, #tpu.memory_space<vmem>>
      %dma_start3A_42 = arith.constant 0 : i32
      %dma_start3A_43 = arith.constant 0 : i32
      %dma_start3A_44 = tpu.memref_slice %arg3[%dma_start3A_42, %dma_start3A_43] : memref<1000000x32xf32, #tpu.memory_space<hbm>> -> memref<1000000x32xf32, #tpu.memory_space<hbm>>
      tpu.enqueue_indirect_dma source(%dma_start3A_44 : memref<1000000x32xf32, #tpu.memory_space<hbm>>) target(%dma_start3A_39 : memref<128x32xf32, #tpu.memory_space<vmem>>) offsets(%dma_start3A_41 : memref<128xi32, #tpu.memory_space<vmem>>) semaphore(%arg10 : memref<!tpu.dma_semaphore, #tpu.memory_space<semaphore_mem>>)
      %dma_start3A_45 = arith.constant 2 : i32
      %dma_start3A_46 = arith.constant 0 : i32
      %dma_start3A_47 = arith.constant 0 : i32
      %dma_start3A_48 = tpu.memref_slice %arg7[%dma_start3A_45, %dma_start3A_46, %dma_start3A_47] : memref<4x128x32xf32, #tpu.memory_space<vmem>> -> memref<1x128x32xf32, #tpu.memory_space<vmem>>
      %dma_start3A_49 = tpu.memref_squeeze %dma_start3A_48 : memref<1x128x32xf32, #tpu.memory_space<vmem>> -> memref<128x32xf32, #tpu.memory_space<vmem>>
      %dma_start3A_50 = arith.constant 256 : i32
      %dma_start3A_51 = tpu.memref_slice %arg6[%dma_start3A_50] : memref<25600xi32, #tpu.memory_space<vmem>> -> memref<128xi32, #tpu.memory_space<vmem>>
      %dma_start3A_52 = arith.constant 0 : i32
      %dma_start3A_53 = arith.constant 0 : i32
      %dma_start3A_54 = tpu.memref_slice %arg3[%dma_start3A_52, %dma_start3A_53] : memref<1000000x32xf32, #tpu.memory_space<hbm>> -> memref<1000000x32xf32, #tpu.memory_space<hbm>>
      tpu.enqueue_indirect_dma source(%dma_start3A_54 : memref<1000000x32xf32, #tpu.memory_space<hbm>>) target(%dma_start3A_49 : memref<128x32xf32, #tpu.memory_space<vmem>>) offsets(%dma_start3A_51 : memref<128xi32, #tpu.memory_space<vmem>>) semaphore(%arg11 : memref<!tpu.dma_semaphore, #tpu.memory_space<semaphore_mem>>)
      %scan3A_55 = arith.constant 0 : i32
      %scan3A_56 = arith.constant 0 : i32
      %scan3A_57 = arith.constant 50 : i32
      %scan3A_58 = arith.addi %scan3A_56, %scan3A_57 : i32
      %scan3A_59 = arith.constant 1 : i32
      scf.for %scan3A_87 = %scan3A_56 to %scan3A_58 step %scan3A_59  : i32 {
        %mul3A_88 = arith.constant 4 : i32
        %mul3A_89 = arith.muli %mul3A_88, %scan3A_87 : i32
        %add3A_90 = arith.constant 0 : i32
        %add3A_91 = arith.addi %mul3A_89, %add3A_90 : i32
        %lt3A = arith.constant 199 : i32
        %lt3A_92 = arith.cmpi slt, %add3A_91, %lt3A : i32
        %convert_element_type3A = arith.extui %lt3A_92 : i1 to i32
        %cond3A = arith.constant 0 : i32
        %cond3A_93 = arith.cmpi ne, %convert_element_type3A, %cond3A : i32
        scf.if %cond3A_93 {
          %add3A_121 = arith.constant 3 : i32
          %add3A_122 = arith.addi %add3A_91, %add3A_121 : i32
          %lt3A_123 = arith.constant 199 : i32
          %lt3A_124 = arith.cmpi slt, %add3A_122, %lt3A_123 : i32
          %convert_element_type3A_125 = arith.extui %lt3A_124 : i1 to i32
          %cond3A_126 = arith.constant 0 : i32
          %cond3A_127 = arith.cmpi ne, %convert_element_type3A_125, %cond3A_126 : i32
          scf.if %cond3A_127 {
            %add3A_215 = arith.constant 3 : i32
            %add3A_216 = arith.addi %add3A_91, %add3A_215 : i32
            %mul3A_217 = arith.constant 128 : i32
            %mul3A_218 = arith.muli %add3A_216, %mul3A_217 : i32
            %dma_start3A_219 = arith.constant 3 : i32
            %dma_start3A_220 = arith.constant 0 : i32
            %dma_start3A_221 = arith.constant 0 : i32
            %dma_start3A_222 = tpu.memref_slice %arg7[%dma_start3A_219, %dma_start3A_220, %dma_start3A_221] : memref<4x128x32xf32, #tpu.memory_space<vmem>> -> memref<1x128x32xf32, #tpu.memory_space<vmem>>
            %dma_start3A_223 = tpu.memref_squeeze %dma_start3A_222 : memref<1x128x32xf32, #tpu.memory_space<vmem>> -> memref<128x32xf32, #tpu.memory_space<vmem>>
            %dma_start3A_224 = tpu.memref_slice %arg6[%mul3A_218] : memref<25600xi32, #tpu.memory_space<vmem>> -> memref<128xi32, #tpu.memory_space<vmem>>
            %dma_start3A_225 = arith.constant 0 : i32
            %dma_start3A_226 = arith.constant 0 : i32
            %dma_start3A_227 = tpu.memref_slice %arg3[%dma_start3A_225, %dma_start3A_226] : memref<1000000x32xf32, #tpu.memory_space<hbm>> -> memref<1000000x32xf32, #tpu.memory_space<hbm>>
            tpu.enqueue_indirect_dma source(%dma_start3A_227 : memref<1000000x32xf32, #tpu.memory_space<hbm>>) target(%dma_start3A_223 : memref<128x32xf32, #tpu.memory_space<vmem>>) offsets(%dma_start3A_224 : memref<128xi32, #tpu.memory_space<vmem>>) semaphore(%arg12 : memref<!tpu.dma_semaphore, #tpu.memory_space<semaphore_mem>>)
          } else {
          }
          %mul3A_128 = arith.constant 128 : i32
          %mul3A_129 = arith.muli %add3A_91, %mul3A_128 : i32
          %dma_wait3A_130 = arith.constant 0 : i32
          %dma_wait3A_131 = arith.constant 0 : i32
          %dma_wait3A_132 = arith.constant 0 : i32
          %dma_wait3A_133 = tpu.memref_slice %arg7[%dma_wait3A_130, %dma_wait3A_131, %dma_wait3A_132] : memref<4x128x32xf32, #tpu.memory_space<vmem>> -> memref<1x128x32xf32, #tpu.memory_space<vmem>>
          %dma_wait3A_134 = tpu.memref_squeeze %dma_wait3A_133 : memref<1x128x32xf32, #tpu.memory_space<vmem>> -> memref<128x32xf32, #tpu.memory_space<vmem>>
          %dma_wait3A_135 = tpu.memref_slice %arg6[%mul3A_129] : memref<25600xi32, #tpu.memory_space<vmem>> -> memref<128xi32, #tpu.memory_space<vmem>>
          %dma_wait3A_136 = arith.constant 0 : i32
          %dma_wait3A_137 = arith.constant 0 : i32
          %dma_wait3A_138 = tpu.memref_slice %arg3[%dma_wait3A_136, %dma_wait3A_137] : memref<1000000x32xf32, #tpu.memory_space<hbm>> -> memref<1000000x32xf32, #tpu.memory_space<hbm>>
          tpu.wait_indirect_dma semaphore(%arg9 : memref<!tpu.dma_semaphore, #tpu.memory_space<semaphore_mem>>) src(%dma_wait3A_138 : memref<1000000x32xf32, #tpu.memory_space<hbm>>) dst(%dma_wait3A_134 : memref<128x32xf32, #tpu.memory_space<vmem>>)
          %ge3A = arith.constant 2 : i32
          %ge3A_139 = arith.cmpi sge, %add3A_91, %ge3A : i32
          %convert_element_type3A_140 = arith.extui %ge3A_139 : i1 to i32
          %cond3A_141 = arith.constant 0 : i32
          %cond3A_142 = arith.cmpi ne, %convert_element_type3A_140, %cond3A_141 : i32
          scf.if %cond3A_142 {
            %sub3A = arith.constant 2 : i32
            %sub3A_215 = arith.subi %add3A_91, %sub3A : i32
            %mul3A_216 = arith.constant 4 : i32
            %mul3A_217 = arith.muli %sub3A_215, %mul3A_216 : i32
            %mul3A_218 = arith.constant 128 : i32
            %mul3A_219 = arith.muli %mul3A_217, %mul3A_218 : i32
            %add3A_220 = arith.addi %mul3A_219, %add3A_12 : i32
            %mul3A_221 = arith.constant 1024 : i32
            %mul3A_222 = arith.muli %add3A_220, %mul3A_221 : i32
            %dma_wait3A_223 = arith.constant 0 : i32
            %dma_wait3A_224 = arith.constant 0 : i32
            %dma_wait3A_225 = tpu.memref_slice %arg8[%dma_wait3A_223, %dma_wait3A_224] : memref<2x4096xf32, #tpu.memory_space<vmem>> -> memref<1x4096xf32, #tpu.memory_space<vmem>>
            %dma_wait3A_226 = tpu.memref_squeeze %dma_wait3A_225 : memref<1x4096xf32, #tpu.memory_space<vmem>> -> memref<4096xf32, #tpu.memory_space<vmem>>
            %dma_wait3A_227 = tpu.memref_slice %arg4[%mul3A_222] : memref<104333312xf32, #tpu.memory_space<hbm>> -> memref<4096xf32, #tpu.memory_space<hbm>>
            %dma_wait3A_228 = tpu.memref_slice %arg4[%mul3A_222] : memref<104333312xf32, #tpu.memory_space<hbm>> -> memref<4096xf32, #tpu.memory_space<hbm>>
            %dma_wait3A_229 = arith.constant 0 : i32
            %dma_wait3A_230 = tpu.memref_slice %arg8[%dma_wait3A_223, %dma_wait3A_229] : memref<2x4096xf32, #tpu.memory_space<vmem>> -> memref<1x4096xf32, #tpu.memory_space<vmem>>
            %dma_wait3A_231 = tpu.memref_squeeze %dma_wait3A_230 : memref<1x4096xf32, #tpu.memory_space<vmem>> -> memref<4096xf32, #tpu.memory_space<vmem>>
            tpu.wait_dma2 semaphore(%arg13 : memref<!tpu.dma_semaphore, #tpu.memory_space<semaphore_mem>>) src(%dma_wait3A_231 : memref<4096xf32, #tpu.memory_space<vmem>>) dst(%dma_wait3A_228 : memref<4096xf32, #tpu.memory_space<hbm>>)
          } else {
          }
          %mul3A_143 = arith.constant 4 : i32
          %mul3A_144 = arith.muli %add3A_91, %mul3A_143 : i32
          %add3A_145 = arith.constant 0 : i32
          %add3A_146 = arith.addi %mul3A_144, %add3A_145 : i32
          %mul3A_147 = arith.constant 128 : i32
          %mul3A_148 = arith.muli %add3A_146, %mul3A_147 : i32
          %add3A_149 = arith.addi %mul3A_148, %add3A_12 : i32
          %mul3A_150 = arith.constant 1024 : i32
          %mul3A_151 = arith.muli %add3A_149, %mul3A_150 : i32
          %dma_start3A_152 = arith.constant 0 : i32
          %dma_start3A_153 = arith.constant 0 : i32
          %dma_start3A_154 = tpu.memref_slice %arg8[%dma_start3A_152, %dma_start3A_153] : memref<2x4096xf32, #tpu.memory_space<vmem>> -> memref<1x1024xf32, #tpu.memory_space<vmem>>
          %dma_start3A_155 = tpu.memref_squeeze %dma_start3A_154 : memref<1x1024xf32, #tpu.memory_space<vmem>> -> memref<1024xf32, #tpu.memory_space<vmem>>
          %dma_start3A_156 = tpu.memref_slice %arg4[%mul3A_151] : memref<104333312xf32, #tpu.memory_space<hbm>> -> memref<1024xf32, #tpu.memory_space<hbm>>
          %dma_start3A_157 = tpu.memref_slice %arg4[%mul3A_151] : memref<104333312xf32, #tpu.memory_space<hbm>> -> memref<1024xf32, #tpu.memory_space<hbm>>
          %dma_start3A_158 = arith.constant 0 : i32
          %dma_start3A_159 = tpu.memref_slice %arg8[%dma_start3A_152, %dma_start3A_158] : memref<2x4096xf32, #tpu.memory_space<vmem>> -> memref<1x1024xf32, #tpu.memory_space<vmem>>
          %dma_start3A_160 = tpu.memref_squeeze %dma_start3A_159 : memref<1x1024xf32, #tpu.memory_space<vmem>> -> memref<1024xf32, #tpu.memory_space<vmem>>
          tpu.enqueue_dma source(%dma_start3A_160 : memref<1024xf32, #tpu.memory_space<vmem>>) target(%dma_start3A_157 : memref<1024xf32, #tpu.memory_space<hbm>>) target_semaphore(%arg13 : memref<!tpu.dma_semaphore, #tpu.memory_space<semaphore_mem>>)
          %mul3A_161 = arith.constant 4 : i32
          %mul3A_162 = arith.muli %add3A_91, %mul3A_161 : i32
          %add3A_163 = arith.constant 1 : i32
          %add3A_164 = arith.addi %mul3A_162, %add3A_163 : i32
          %mul3A_165 = arith.constant 128 : i32
          %mul3A_166 = arith.muli %add3A_164, %mul3A_165 : i32
          %add3A_167 = arith.addi %mul3A_166, %add3A_12 : i32
          %mul3A_168 = arith.constant 1024 : i32
          %mul3A_169 = arith.muli %add3A_167, %mul3A_168 : i32
          %dma_start3A_170 = arith.constant 0 : i32
          %dma_start3A_171 = arith.constant 1024 : i32
          %dma_start3A_172 = tpu.memref_slice %arg8[%dma_start3A_170, %dma_start3A_171] : memref<2x4096xf32, #tpu.memory_space<vmem>> -> memref<1x1024xf32, #tpu.memory_space<vmem>>
          %dma_start3A_173 = tpu.memref_squeeze %dma_start3A_172 : memref<1x1024xf32, #tpu.memory_space<vmem>> -> memref<1024xf32, #tpu.memory_space<vmem>>
          %dma_start3A_174 = tpu.memref_slice %arg4[%mul3A_169] : memref<104333312xf32, #tpu.memory_space<hbm>> -> memref<1024xf32, #tpu.memory_space<hbm>>
          %dma_start3A_175 = tpu.memref_slice %arg4[%mul3A_169] : memref<104333312xf32, #tpu.memory_space<hbm>> -> memref<1024xf32, #tpu.memory_space<hbm>>
          %dma_start3A_176 = arith.constant 1024 : i32
          %dma_start3A_177 = tpu.memref_slice %arg8[%dma_start3A_170, %dma_start3A_176] : memref<2x4096xf32, #tpu.memory_space<vmem>> -> memref<1x1024xf32, #tpu.memory_space<vmem>>
          %dma_start3A_178 = tpu.memref_squeeze %dma_start3A_177 : memref<1x1024xf32, #tpu.memory_space<vmem>> -> memref<1024xf32, #tpu.memory_space<vmem>>
          tpu.enqueue_dma source(%dma_start3A_178 : memref<1024xf32, #tpu.memory_space<vmem>>) target(%dma_start3A_175 : memref<1024xf32, #tpu.memory_space<hbm>>) target_semaphore(%arg13 : memref<!tpu.dma_semaphore, #tpu.memory_space<semaphore_mem>>)
          %mul3A_179 = arith.constant 4 : i32
          %mul3A_180 = arith.muli %add3A_91, %mul3A_179 : i32
          %add3A_181 = arith.constant 2 : i32
          %add3A_182 = arith.addi %mul3A_180, %add3A_181 : i32
          %mul3A_183 = arith.constant 128 : i32
          %mul3A_184 = arith.muli %add3A_182, %mul3A_183 : i32
          %add3A_185 = arith.addi %mul3A_184, %add3A_12 : i32
          %mul3A_186 = arith.constant 1024 : i32
          %mul3A_187 = arith.muli %add3A_185, %mul3A_186 : i32
          %dma_start3A_188 = arith.constant 0 : i32
          %dma_start3A_189 = arith.constant 2048 : i32
          %dma_start3A_190 = tpu.memref_slice %arg8[%dma_start3A_188, %dma_start3A_189] : memref<2x4096xf32, #tpu.memory_space<vmem>> -> memref<1x1024xf32, #tpu.memory_space<vmem>>
          %dma_start3A_191 = tpu.memref_squeeze %dma_start3A_190 : memref<1x1024xf32, #tpu.memory_space<vmem>> -> memref<1024xf32, #tpu.memory_space<vmem>>
          %dma_start3A_192 = tpu.memref_slice %arg4[%mul3A_187] : memref<104333312xf32, #tpu.memory_space<hbm>> -> memref<1024xf32, #tpu.memory_space<hbm>>
          %dma_start3A_193 = tpu.memref_slice %arg4[%mul3A_187] : memref<104333312xf32, #tpu.memory_space<hbm>> -> memref<1024xf32, #tpu.memory_space<hbm>>
          %dma_start3A_194 = arith.constant 2048 : i32
          %dma_start3A_195 = tpu.memref_slice %arg8[%dma_start3A_188, %dma_start3A_194] : memref<2x4096xf32, #tpu.memory_space<vmem>> -> memref<1x1024xf32, #tpu.memory_space<vmem>>
          %dma_start3A_196 = tpu.memref_squeeze %dma_start3A_195 : memref<1x1024xf32, #tpu.memory_space<vmem>> -> memref<1024xf32, #tpu.memory_space<vmem>>
          tpu.enqueue_dma source(%dma_start3A_196 : memref<1024xf32, #tpu.memory_space<vmem>>) target(%dma_start3A_193 : memref<1024xf32, #tpu.memory_space<hbm>>) target_semaphore(%arg13 : memref<!tpu.dma_semaphore, #tpu.memory_space<semaphore_mem>>)
          %mul3A_197 = arith.constant 4 : i32
          %mul3A_198 = arith.muli %add3A_91, %mul3A_197 : i32
          %add3A_199 = arith.constant 3 : i32
          %add3A_200 = arith.addi %mul3A_198, %add3A_199 : i32
          %mul3A_201 = arith.constant 128 : i32
          %mul3A_202 = arith.muli %add3A_200, %mul3A_201 : i32
          %add3A_203 = arith.addi %mul3A_202, %add3A_12 : i32
          %mul3A_204 = arith.constant 1024 : i32
          %mul3A_205 = arith.muli %add3A_203, %mul3A_204 : i32
          %dma_start3A_206 = arith.constant 0 : i32
          %dma_start3A_207 = arith.constant 3072 : i32
          %dma_start3A_208 = tpu.memref_slice %arg8[%dma_start3A_206, %dma_start3A_207] : memref<2x4096xf32, #tpu.memory_space<vmem>> -> memref<1x1024xf32, #tpu.memory_space<vmem>>
          %dma_start3A_209 = tpu.memref_squeeze %dma_start3A_208 : memref<1x1024xf32, #tpu.memory_space<vmem>> -> memref<1024xf32, #tpu.memory_space<vmem>>
          %dma_start3A_210 = tpu.memref_slice %arg4[%mul3A_205] : memref<104333312xf32, #tpu.memory_space<hbm>> -> memref<1024xf32, #tpu.memory_space<hbm>>
          %dma_start3A_211 = tpu.memref_slice %arg4[%mul3A_205] : memref<104333312xf32, #tpu.memory_space<hbm>> -> memref<1024xf32, #tpu.memory_space<hbm>>
          %dma_start3A_212 = arith.constant 3072 : i32
          %dma_start3A_213 = tpu.memref_slice %arg8[%dma_start3A_206, %dma_start3A_212] : memref<2x4096xf32, #tpu.memory_space<vmem>> -> memref<1x1024xf32, #tpu.memory_space<vmem>>
          %dma_start3A_214 = tpu.memref_squeeze %dma_start3A_213 : memref<1x1024xf32, #tpu.memory_space<vmem>> -> memref<1024xf32, #tpu.memory_space<vmem>>
          tpu.enqueue_dma source(%dma_start3A_214 : memref<1024xf32, #tpu.memory_space<vmem>>) target(%dma_start3A_211 : memref<1024xf32, #tpu.memory_space<hbm>>) target_semaphore(%arg13 : memref<!tpu.dma_semaphore, #tpu.memory_space<semaphore_mem>>)
        } else {
        }
        %mul3A_94 = arith.constant 4 : i32
        %mul3A_95 = arith.muli %mul3A_94, %scan3A_87 : i32
        %add3A_96 = arith.constant 1 : i32
        %add3A_97 = arith.addi %mul3A_95, %add3A_96 : i32
        %lt3A_98 = arith.constant 199 : i32
        %lt3A_99 = arith.cmpi slt, %add3A_97, %lt3A_98 : i32
        %convert_element_type3A_100 = arith.extui %lt3A_99 : i1 to i32
        %cond3A_101 = arith.constant 0 : i32
        %cond3A_102 = arith.cmpi ne, %convert_element_type3A_100, %cond3A_101 : i32
        scf.if %cond3A_102 {
          %add3A_121 = arith.constant 3 : i32
          %add3A_122 = arith.addi %add3A_97, %add3A_121 : i32
          %lt3A_123 = arith.constant 199 : i32
          %lt3A_124 = arith.cmpi slt, %add3A_122, %lt3A_123 : i32
          %convert_element_type3A_125 = arith.extui %lt3A_124 : i1 to i32
          %cond3A_126 = arith.constant 0 : i32
          %cond3A_127 = arith.cmpi ne, %convert_element_type3A_125, %cond3A_126 : i32
          scf.if %cond3A_127 {
            %add3A_215 = arith.constant 3 : i32
            %add3A_216 = arith.addi %add3A_97, %add3A_215 : i32
            %mul3A_217 = arith.constant 128 : i32
            %mul3A_218 = arith.muli %add3A_216, %mul3A_217 : i32
            %dma_start3A_219 = arith.constant 0 : i32
            %dma_start3A_220 = arith.constant 0 : i32
            %dma_start3A_221 = arith.constant 0 : i32
            %dma_start3A_222 = tpu.memref_slice %arg7[%dma_start3A_219, %dma_start3A_220, %dma_start3A_221] : memref<4x128x32xf32, #tpu.memory_space<vmem>> -> memref<1x128x32xf32, #tpu.memory_space<vmem>>
            %dma_start3A_223 = tpu.memref_squeeze %dma_start3A_222 : memref<1x128x32xf32, #tpu.memory_space<vmem>> -> memref<128x32xf32, #tpu.memory_space<vmem>>
            %dma_start3A_224 = tpu.memref_slice %arg6[%mul3A_218] : memref<25600xi32, #tpu.memory_space<vmem>> -> memref<128xi32, #tpu.memory_space<vmem>>
            %dma_start3A_225 = arith.constant 0 : i32
            %dma_start3A_226 = arith.constant 0 : i32
            %dma_start3A_227 = tpu.memref_slice %arg3[%dma_start3A_225, %dma_start3A_226] : memref<1000000x32xf32, #tpu.memory_space<hbm>> -> memref<1000000x32xf32, #tpu.memory_space<hbm>>
            tpu.enqueue_indirect_dma source(%dma_start3A_227 : memref<1000000x32xf32, #tpu.memory_space<hbm>>) target(%dma_start3A_223 : memref<128x32xf32, #tpu.memory_space<vmem>>) offsets(%dma_start3A_224 : memref<128xi32, #tpu.memory_space<vmem>>) semaphore(%arg9 : memref<!tpu.dma_semaphore, #tpu.memory_space<semaphore_mem>>)
          } else {
          }
          %mul3A_128 = arith.constant 128 : i32
          %mul3A_129 = arith.muli %add3A_97, %mul3A_128 : i32
          %dma_wait3A_130 = arith.constant 1 : i32
          %dma_wait3A_131 = arith.constant 0 : i32
          %dma_wait3A_132 = arith.constant 0 : i32
          %dma_wait3A_133 = tpu.memref_slice %arg7[%dma_wait3A_130, %dma_wait3A_131, %dma_wait3A_132] : memref<4x128x32xf32, #tpu.memory_space<vmem>> -> memref<1x128x32xf32, #tpu.memory_space<vmem>>
          %dma_wait3A_134 = tpu.memref_squeeze %dma_wait3A_133 : memref<1x128x32xf32, #tpu.memory_space<vmem>> -> memref<128x32xf32, #tpu.memory_space<vmem>>
          %dma_wait3A_135 = tpu.memref_slice %arg6[%mul3A_129] : memref<25600xi32, #tpu.memory_space<vmem>> -> memref<128xi32, #tpu.memory_space<vmem>>
          %dma_wait3A_136 = arith.constant 0 : i32
          %dma_wait3A_137 = arith.constant 0 : i32
          %dma_wait3A_138 = tpu.memref_slice %arg3[%dma_wait3A_136, %dma_wait3A_137] : memref<1000000x32xf32, #tpu.memory_space<hbm>> -> memref<1000000x32xf32, #tpu.memory_space<hbm>>
          tpu.wait_indirect_dma semaphore(%arg10 : memref<!tpu.dma_semaphore, #tpu.memory_space<semaphore_mem>>) src(%dma_wait3A_138 : memref<1000000x32xf32, #tpu.memory_space<hbm>>) dst(%dma_wait3A_134 : memref<128x32xf32, #tpu.memory_space<vmem>>)
          %ge3A = arith.constant 2 : i32
          %ge3A_139 = arith.cmpi sge, %add3A_97, %ge3A : i32
          %convert_element_type3A_140 = arith.extui %ge3A_139 : i1 to i32
          %cond3A_141 = arith.constant 0 : i32
          %cond3A_142 = arith.cmpi ne, %convert_element_type3A_140, %cond3A_141 : i32
          scf.if %cond3A_142 {
            %sub3A = arith.constant 2 : i32
            %sub3A_215 = arith.subi %add3A_97, %sub3A : i32
            %mul3A_216 = arith.constant 4 : i32
            %mul3A_217 = arith.muli %sub3A_215, %mul3A_216 : i32
            %mul3A_218 = arith.constant 128 : i32
            %mul3A_219 = arith.muli %mul3A_217, %mul3A_218 : i32
            %add3A_220 = arith.addi %mul3A_219, %add3A_12 : i32
            %mul3A_221 = arith.constant 1024 : i32
            %mul3A_222 = arith.muli %add3A_220, %mul3A_221 : i32
            %dma_wait3A_223 = arith.constant 1 : i32
            %dma_wait3A_224 = arith.constant 0 : i32
            %dma_wait3A_225 = tpu.memref_slice %arg8[%dma_wait3A_223, %dma_wait3A_224] : memref<2x4096xf32, #tpu.memory_space<vmem>> -> memref<1x4096xf32, #tpu.memory_space<vmem>>
            %dma_wait3A_226 = tpu.memref_squeeze %dma_wait3A_225 : memref<1x4096xf32, #tpu.memory_space<vmem>> -> memref<4096xf32, #tpu.memory_space<vmem>>
            %dma_wait3A_227 = tpu.memref_slice %arg4[%mul3A_222] : memref<104333312xf32, #tpu.memory_space<hbm>> -> memref<4096xf32, #tpu.memory_space<hbm>>
            %dma_wait3A_228 = tpu.memref_slice %arg4[%mul3A_222] : memref<104333312xf32, #tpu.memory_space<hbm>> -> memref<4096xf32, #tpu.memory_space<hbm>>
            %dma_wait3A_229 = arith.constant 0 : i32
            %dma_wait3A_230 = tpu.memref_slice %arg8[%dma_wait3A_223, %dma_wait3A_229] : memref<2x4096xf32, #tpu.memory_space<vmem>> -> memref<1x4096xf32, #tpu.memory_space<vmem>>
            %dma_wait3A_231 = tpu.memref_squeeze %dma_wait3A_230 : memref<1x4096xf32, #tpu.memory_space<vmem>> -> memref<4096xf32, #tpu.memory_space<vmem>>
            tpu.wait_dma2 semaphore(%arg14 : memref<!tpu.dma_semaphore, #tpu.memory_space<semaphore_mem>>) src(%dma_wait3A_231 : memref<4096xf32, #tpu.memory_space<vmem>>) dst(%dma_wait3A_228 : memref<4096xf32, #tpu.memory_space<hbm>>)
          } else {
          }
          %mul3A_143 = arith.constant 4 : i32
          %mul3A_144 = arith.muli %add3A_97, %mul3A_143 : i32
          %add3A_145 = arith.constant 0 : i32
          %add3A_146 = arith.addi %mul3A_144, %add3A_145 : i32
          %mul3A_147 = arith.constant 128 : i32
          %mul3A_148 = arith.muli %add3A_146, %mul3A_147 : i32
          %add3A_149 = arith.addi %mul3A_148, %add3A_12 : i32
          %mul3A_150 = arith.constant 1024 : i32
          %mul3A_151 = arith.muli %add3A_149, %mul3A_150 : i32
          %dma_start3A_152 = arith.constant 1 : i32
          %dma_start3A_153 = arith.constant 0 : i32
          %dma_start3A_154 = tpu.memref_slice %arg8[%dma_start3A_152, %dma_start3A_153] : memref<2x4096xf32, #tpu.memory_space<vmem>> -> memref<1x1024xf32, #tpu.memory_space<vmem>>
          %dma_start3A_155 = tpu.memref_squeeze %dma_start3A_154 : memref<1x1024xf32, #tpu.memory_space<vmem>> -> memref<1024xf32, #tpu.memory_space<vmem>>
          %dma_start3A_156 = tpu.memref_slice %arg4[%mul3A_151] : memref<104333312xf32, #tpu.memory_space<hbm>> -> memref<1024xf32, #tpu.memory_space<hbm>>
          %dma_start3A_157 = tpu.memref_slice %arg4[%mul3A_151] : memref<104333312xf32, #tpu.memory_space<hbm>> -> memref<1024xf32, #tpu.memory_space<hbm>>
          %dma_start3A_158 = arith.constant 0 : i32
          %dma_start3A_159 = tpu.memref_slice %arg8[%dma_start3A_152, %dma_start3A_158] : memref<2x4096xf32, #tpu.memory_space<vmem>> -> memref<1x1024xf32, #tpu.memory_space<vmem>>
          %dma_start3A_160 = tpu.memref_squeeze %dma_start3A_159 : memref<1x1024xf32, #tpu.memory_space<vmem>> -> memref<1024xf32, #tpu.memory_space<vmem>>
          tpu.enqueue_dma source(%dma_start3A_160 : memref<1024xf32, #tpu.memory_space<vmem>>) target(%dma_start3A_157 : memref<1024xf32, #tpu.memory_space<hbm>>) target_semaphore(%arg14 : memref<!tpu.dma_semaphore, #tpu.memory_space<semaphore_mem>>)
          %mul3A_161 = arith.constant 4 : i32
          %mul3A_162 = arith.muli %add3A_97, %mul3A_161 : i32
          %add3A_163 = arith.constant 1 : i32
          %add3A_164 = arith.addi %mul3A_162, %add3A_163 : i32
          %mul3A_165 = arith.constant 128 : i32
          %mul3A_166 = arith.muli %add3A_164, %mul3A_165 : i32
          %add3A_167 = arith.addi %mul3A_166, %add3A_12 : i32
          %mul3A_168 = arith.constant 1024 : i32
          %mul3A_169 = arith.muli %add3A_167, %mul3A_168 : i32
          %dma_start3A_170 = arith.constant 1 : i32
          %dma_start3A_171 = arith.constant 1024 : i32
          %dma_start3A_172 = tpu.memref_slice %arg8[%dma_start3A_170, %dma_start3A_171] : memref<2x4096xf32, #tpu.memory_space<vmem>> -> memref<1x1024xf32, #tpu.memory_space<vmem>>
          %dma_start3A_173 = tpu.memref_squeeze %dma_start3A_172 : memref<1x1024xf32, #tpu.memory_space<vmem>> -> memref<1024xf32, #tpu.memory_space<vmem>>
          %dma_start3A_174 = tpu.memref_slice %arg4[%mul3A_169] : memref<104333312xf32, #tpu.memory_space<hbm>> -> memref<1024xf32, #tpu.memory_space<hbm>>
          %dma_start3A_175 = tpu.memref_slice %arg4[%mul3A_169] : memref<104333312xf32, #tpu.memory_space<hbm>> -> memref<1024xf32, #tpu.memory_space<hbm>>
          %dma_start3A_176 = arith.constant 1024 : i32
          %dma_start3A_177 = tpu.memref_slice %arg8[%dma_start3A_170, %dma_start3A_176] : memref<2x4096xf32, #tpu.memory_space<vmem>> -> memref<1x1024xf32, #tpu.memory_space<vmem>>
          %dma_start3A_178 = tpu.memref_squeeze %dma_start3A_177 : memref<1x1024xf32, #tpu.memory_space<vmem>> -> memref<1024xf32, #tpu.memory_space<vmem>>
          tpu.enqueue_dma source(%dma_start3A_178 : memref<1024xf32, #tpu.memory_space<vmem>>) target(%dma_start3A_175 : memref<1024xf32, #tpu.memory_space<hbm>>) target_semaphore(%arg14 : memref<!tpu.dma_semaphore, #tpu.memory_space<semaphore_mem>>)
          %mul3A_179 = arith.constant 4 : i32
          %mul3A_180 = arith.muli %add3A_97, %mul3A_179 : i32
          %add3A_181 = arith.constant 2 : i32
          %add3A_182 = arith.addi %mul3A_180, %add3A_181 : i32
          %mul3A_183 = arith.constant 128 : i32
          %mul3A_184 = arith.muli %add3A_182, %mul3A_183 : i32
          %add3A_185 = arith.addi %mul3A_184, %add3A_12 : i32
          %mul3A_186 = arith.constant 1024 : i32
          %mul3A_187 = arith.muli %add3A_185, %mul3A_186 : i32
          %dma_start3A_188 = arith.constant 1 : i32
          %dma_start3A_189 = arith.constant 2048 : i32
          %dma_start3A_190 = tpu.memref_slice %arg8[%dma_start3A_188, %dma_start3A_189] : memref<2x4096xf32, #tpu.memory_space<vmem>> -> memref<1x1024xf32, #tpu.memory_space<vmem>>
          %dma_start3A_191 = tpu.memref_squeeze %dma_start3A_190 : memref<1x1024xf32, #tpu.memory_space<vmem>> -> memref<1024xf32, #tpu.memory_space<vmem>>
          %dma_start3A_192 = tpu.memref_slice %arg4[%mul3A_187] : memref<104333312xf32, #tpu.memory_space<hbm>> -> memref<1024xf32, #tpu.memory_space<hbm>>
          %dma_start3A_193 = tpu.memref_slice %arg4[%mul3A_187] : memref<104333312xf32, #tpu.memory_space<hbm>> -> memref<1024xf32, #tpu.memory_space<hbm>>
          %dma_start3A_194 = arith.constant 2048 : i32
          %dma_start3A_195 = tpu.memref_slice %arg8[%dma_start3A_188, %dma_start3A_194] : memref<2x4096xf32, #tpu.memory_space<vmem>> -> memref<1x1024xf32, #tpu.memory_space<vmem>>
          %dma_start3A_196 = tpu.memref_squeeze %dma_start3A_195 : memref<1x1024xf32, #tpu.memory_space<vmem>> -> memref<1024xf32, #tpu.memory_space<vmem>>
          tpu.enqueue_dma source(%dma_start3A_196 : memref<1024xf32, #tpu.memory_space<vmem>>) target(%dma_start3A_193 : memref<1024xf32, #tpu.memory_space<hbm>>) target_semaphore(%arg14 : memref<!tpu.dma_semaphore, #tpu.memory_space<semaphore_mem>>)
          %mul3A_197 = arith.constant 4 : i32
          %mul3A_198 = arith.muli %add3A_97, %mul3A_197 : i32
          %add3A_199 = arith.constant 3 : i32
          %add3A_200 = arith.addi %mul3A_198, %add3A_199 : i32
          %mul3A_201 = arith.constant 128 : i32
          %mul3A_202 = arith.muli %add3A_200, %mul3A_201 : i32
          %add3A_203 = arith.addi %mul3A_202, %add3A_12 : i32
          %mul3A_204 = arith.constant 1024 : i32
          %mul3A_205 = arith.muli %add3A_203, %mul3A_204 : i32
          %dma_start3A_206 = arith.constant 1 : i32
          %dma_start3A_207 = arith.constant 3072 : i32
          %dma_start3A_208 = tpu.memref_slice %arg8[%dma_start3A_206, %dma_start3A_207] : memref<2x4096xf32, #tpu.memory_space<vmem>> -> memref<1x1024xf32, #tpu.memory_space<vmem>>
          %dma_start3A_209 = tpu.memref_squeeze %dma_start3A_208 : memref<1x1024xf32, #tpu.memory_space<vmem>> -> memref<1024xf32, #tpu.memory_space<vmem>>
          %dma_start3A_210 = tpu.memref_slice %arg4[%mul3A_205] : memref<104333312xf32, #tpu.memory_space<hbm>> -> memref<1024xf32, #tpu.memory_space<hbm>>
          %dma_start3A_211 = tpu.memref_slice %arg4[%mul3A_205] : memref<104333312xf32, #tpu.memory_space<hbm>> -> memref<1024xf32, #tpu.memory_space<hbm>>
          %dma_start3A_212 = arith.constant 3072 : i32
          %dma_start3A_213 = tpu.memref_slice %arg8[%dma_start3A_206, %dma_start3A_212] : memref<2x4096xf32, #tpu.memory_space<vmem>> -> memref<1x1024xf32, #tpu.memory_space<vmem>>
          %dma_start3A_214 = tpu.memref_squeeze %dma_start3A_213 : memref<1x1024xf32, #tpu.memory_space<vmem>> -> memref<1024xf32, #tpu.memory_space<vmem>>
          tpu.enqueue_dma source(%dma_start3A_214 : memref<1024xf32, #tpu.memory_space<vmem>>) target(%dma_start3A_211 : memref<1024xf32, #tpu.memory_space<hbm>>) target_semaphore(%arg14 : memref<!tpu.dma_semaphore, #tpu.memory_space<semaphore_mem>>)
        } else {
        }
        %mul3A_103 = arith.constant 4 : i32
        %mul3A_104 = arith.muli %mul3A_103, %scan3A_87 : i32
        %add3A_105 = arith.constant 2 : i32
        %add3A_106 = arith.addi %mul3A_104, %add3A_105 : i32
        %lt3A_107 = arith.constant 199 : i32
        %lt3A_108 = arith.cmpi slt, %add3A_106, %lt3A_107 : i32
        %convert_element_type3A_109 = arith.extui %lt3A_108 : i1 to i32
        %cond3A_110 = arith.constant 0 : i32
        %cond3A_111 = arith.cmpi ne, %convert_element_type3A_109, %cond3A_110 : i32
        scf.if %cond3A_111 {
          %add3A_121 = arith.constant 3 : i32
          %add3A_122 = arith.addi %add3A_106, %add3A_121 : i32
          %lt3A_123 = arith.constant 199 : i32
          %lt3A_124 = arith.cmpi slt, %add3A_122, %lt3A_123 : i32
          %convert_element_type3A_125 = arith.extui %lt3A_124 : i1 to i32
          %cond3A_126 = arith.constant 0 : i32
          %cond3A_127 = arith.cmpi ne, %convert_element_type3A_125, %cond3A_126 : i32
          scf.if %cond3A_127 {
            %add3A_215 = arith.constant 3 : i32
            %add3A_216 = arith.addi %add3A_106, %add3A_215 : i32
            %mul3A_217 = arith.constant 128 : i32
            %mul3A_218 = arith.muli %add3A_216, %mul3A_217 : i32
            %dma_start3A_219 = arith.constant 1 : i32
            %dma_start3A_220 = arith.constant 0 : i32
            %dma_start3A_221 = arith.constant 0 : i32
            %dma_start3A_222 = tpu.memref_slice %arg7[%dma_start3A_219, %dma_start3A_220, %dma_start3A_221] : memref<4x128x32xf32, #tpu.memory_space<vmem>> -> memref<1x128x32xf32, #tpu.memory_space<vmem>>
            %dma_start3A_223 = tpu.memref_squeeze %dma_start3A_222 : memref<1x128x32xf32, #tpu.memory_space<vmem>> -> memref<128x32xf32, #tpu.memory_space<vmem>>
            %dma_start3A_224 = tpu.memref_slice %arg6[%mul3A_218] : memref<25600xi32, #tpu.memory_space<vmem>> -> memref<128xi32, #tpu.memory_space<vmem>>
            %dma_start3A_225 = arith.constant 0 : i32
            %dma_start3A_226 = arith.constant 0 : i32
            %dma_start3A_227 = tpu.memref_slice %arg3[%dma_start3A_225, %dma_start3A_226] : memref<1000000x32xf32, #tpu.memory_space<hbm>> -> memref<1000000x32xf32, #tpu.memory_space<hbm>>
            tpu.enqueue_indirect_dma source(%dma_start3A_227 : memref<1000000x32xf32, #tpu.memory_space<hbm>>) target(%dma_start3A_223 : memref<128x32xf32, #tpu.memory_space<vmem>>) offsets(%dma_start3A_224 : memref<128xi32, #tpu.memory_space<vmem>>) semaphore(%arg10 : memref<!tpu.dma_semaphore, #tpu.memory_space<semaphore_mem>>)
          } else {
          }
          %mul3A_128 = arith.constant 128 : i32
          %mul3A_129 = arith.muli %add3A_106, %mul3A_128 : i32
          %dma_wait3A_130 = arith.constant 2 : i32
          %dma_wait3A_131 = arith.constant 0 : i32
          %dma_wait3A_132 = arith.constant 0 : i32
          %dma_wait3A_133 = tpu.memref_slice %arg7[%dma_wait3A_130, %dma_wait3A_131, %dma_wait3A_132] : memref<4x128x32xf32, #tpu.memory_space<vmem>> -> memref<1x128x32xf32, #tpu.memory_space<vmem>>
          %dma_wait3A_134 = tpu.memref_squeeze %dma_wait3A_133 : memref<1x128x32xf32, #tpu.memory_space<vmem>> -> memref<128x32xf32, #tpu.memory_space<vmem>>
          %dma_wait3A_135 = tpu.memref_slice %arg6[%mul3A_129] : memref<25600xi32, #tpu.memory_space<vmem>> -> memref<128xi32, #tpu.memory_space<vmem>>
          %dma_wait3A_136 = arith.constant 0 : i32
          %dma_wait3A_137 = arith.constant 0 : i32
          %dma_wait3A_138 = tpu.memref_slice %arg3[%dma_wait3A_136, %dma_wait3A_137] : memref<1000000x32xf32, #tpu.memory_space<hbm>> -> memref<1000000x32xf32, #tpu.memory_space<hbm>>
          tpu.wait_indirect_dma semaphore(%arg11 : memref<!tpu.dma_semaphore, #tpu.memory_space<semaphore_mem>>) src(%dma_wait3A_138 : memref<1000000x32xf32, #tpu.memory_space<hbm>>) dst(%dma_wait3A_134 : memref<128x32xf32, #tpu.memory_space<vmem>>)
          %ge3A = arith.constant 2 : i32
          %ge3A_139 = arith.cmpi sge, %add3A_106, %ge3A : i32
          %convert_element_type3A_140 = arith.extui %ge3A_139 : i1 to i32
          %cond3A_141 = arith.constant 0 : i32
          %cond3A_142 = arith.cmpi ne, %convert_element_type3A_140, %cond3A_141 : i32
          scf.if %cond3A_142 {
            %sub3A = arith.constant 2 : i32
            %sub3A_215 = arith.subi %add3A_106, %sub3A : i32
            %mul3A_216 = arith.constant 4 : i32
            %mul3A_217 = arith.muli %sub3A_215, %mul3A_216 : i32
            %mul3A_218 = arith.constant 128 : i32
            %mul3A_219 = arith.muli %mul3A_217, %mul3A_218 : i32
            %add3A_220 = arith.addi %mul3A_219, %add3A_12 : i32
            %mul3A_221 = arith.constant 1024 : i32
            %mul3A_222 = arith.muli %add3A_220, %mul3A_221 : i32
            %dma_wait3A_223 = arith.constant 0 : i32
            %dma_wait3A_224 = arith.constant 0 : i32
            %dma_wait3A_225 = tpu.memref_slice %arg8[%dma_wait3A_223, %dma_wait3A_224] : memref<2x4096xf32, #tpu.memory_space<vmem>> -> memref<1x4096xf32, #tpu.memory_space<vmem>>
            %dma_wait3A_226 = tpu.memref_squeeze %dma_wait3A_225 : memref<1x4096xf32, #tpu.memory_space<vmem>> -> memref<4096xf32, #tpu.memory_space<vmem>>
            %dma_wait3A_227 = tpu.memref_slice %arg4[%mul3A_222] : memref<104333312xf32, #tpu.memory_space<hbm>> -> memref<4096xf32, #tpu.memory_space<hbm>>
            %dma_wait3A_228 = tpu.memref_slice %arg4[%mul3A_222] : memref<104333312xf32, #tpu.memory_space<hbm>> -> memref<4096xf32, #tpu.memory_space<hbm>>
            %dma_wait3A_229 = arith.constant 0 : i32
            %dma_wait3A_230 = tpu.memref_slice %arg8[%dma_wait3A_223, %dma_wait3A_229] : memref<2x4096xf32, #tpu.memory_space<vmem>> -> memref<1x4096xf32, #tpu.memory_space<vmem>>
            %dma_wait3A_231 = tpu.memref_squeeze %dma_wait3A_230 : memref<1x4096xf32, #tpu.memory_space<vmem>> -> memref<4096xf32, #tpu.memory_space<vmem>>
            tpu.wait_dma2 semaphore(%arg13 : memref<!tpu.dma_semaphore, #tpu.memory_space<semaphore_mem>>) src(%dma_wait3A_231 : memref<4096xf32, #tpu.memory_space<vmem>>) dst(%dma_wait3A_228 : memref<4096xf32, #tpu.memory_space<hbm>>)
          } else {
          }
          %mul3A_143 = arith.constant 4 : i32
          %mul3A_144 = arith.muli %add3A_106, %mul3A_143 : i32
          %add3A_145 = arith.constant 0 : i32
          %add3A_146 = arith.addi %mul3A_144, %add3A_145 : i32
          %mul3A_147 = arith.constant 128 : i32
          %mul3A_148 = arith.muli %add3A_146, %mul3A_147 : i32
          %add3A_149 = arith.addi %mul3A_148, %add3A_12 : i32
          %mul3A_150 = arith.constant 1024 : i32
          %mul3A_151 = arith.muli %add3A_149, %mul3A_150 : i32
          %dma_start3A_152 = arith.constant 0 : i32
          %dma_start3A_153 = arith.constant 0 : i32
          %dma_start3A_154 = tpu.memref_slice %arg8[%dma_start3A_152, %dma_start3A_153] : memref<2x4096xf32, #tpu.memory_space<vmem>> -> memref<1x1024xf32, #tpu.memory_space<vmem>>
          %dma_start3A_155 = tpu.memref_squeeze %dma_start3A_154 : memref<1x1024xf32, #tpu.memory_space<vmem>> -> memref<1024xf32, #tpu.memory_space<vmem>>
          %dma_start3A_156 = tpu.memref_slice %arg4[%mul3A_151] : memref<104333312xf32, #tpu.memory_space<hbm>> -> memref<1024xf32, #tpu.memory_space<hbm>>
          %dma_start3A_157 = tpu.memref_slice %arg4[%mul3A_151] : memref<104333312xf32, #tpu.memory_space<hbm>> -> memref<1024xf32, #tpu.memory_space<hbm>>
          %dma_start3A_158 = arith.constant 0 : i32
          %dma_start3A_159 = tpu.memref_slice %arg8[%dma_start3A_152, %dma_start3A_158] : memref<2x4096xf32, #tpu.memory_space<vmem>> -> memref<1x1024xf32, #tpu.memory_space<vmem>>
          %dma_start3A_160 = tpu.memref_squeeze %dma_start3A_159 : memref<1x1024xf32, #tpu.memory_space<vmem>> -> memref<1024xf32, #tpu.memory_space<vmem>>
          tpu.enqueue_dma source(%dma_start3A_160 : memref<1024xf32, #tpu.memory_space<vmem>>) target(%dma_start3A_157 : memref<1024xf32, #tpu.memory_space<hbm>>) target_semaphore(%arg13 : memref<!tpu.dma_semaphore, #tpu.memory_space<semaphore_mem>>)
          %mul3A_161 = arith.constant 4 : i32
          %mul3A_162 = arith.muli %add3A_106, %mul3A_161 : i32
          %add3A_163 = arith.constant 1 : i32
          %add3A_164 = arith.addi %mul3A_162, %add3A_163 : i32
          %mul3A_165 = arith.constant 128 : i32
          %mul3A_166 = arith.muli %add3A_164, %mul3A_165 : i32
          %add3A_167 = arith.addi %mul3A_166, %add3A_12 : i32
          %mul3A_168 = arith.constant 1024 : i32
          %mul3A_169 = arith.muli %add3A_167, %mul3A_168 : i32
          %dma_start3A_170 = arith.constant 0 : i32
          %dma_start3A_171 = arith.constant 1024 : i32
          %dma_start3A_172 = tpu.memref_slice %arg8[%dma_start3A_170, %dma_start3A_171] : memref<2x4096xf32, #tpu.memory_space<vmem>> -> memref<1x1024xf32, #tpu.memory_space<vmem>>
          %dma_start3A_173 = tpu.memref_squeeze %dma_start3A_172 : memref<1x1024xf32, #tpu.memory_space<vmem>> -> memref<1024xf32, #tpu.memory_space<vmem>>
          %dma_start3A_174 = tpu.memref_slice %arg4[%mul3A_169] : memref<104333312xf32, #tpu.memory_space<hbm>> -> memref<1024xf32, #tpu.memory_space<hbm>>
          %dma_start3A_175 = tpu.memref_slice %arg4[%mul3A_169] : memref<104333312xf32, #tpu.memory_space<hbm>> -> memref<1024xf32, #tpu.memory_space<hbm>>
          %dma_start3A_176 = arith.constant 1024 : i32
          %dma_start3A_177 = tpu.memref_slice %arg8[%dma_start3A_170, %dma_start3A_176] : memref<2x4096xf32, #tpu.memory_space<vmem>> -> memref<1x1024xf32, #tpu.memory_space<vmem>>
          %dma_start3A_178 = tpu.memref_squeeze %dma_start3A_177 : memref<1x1024xf32, #tpu.memory_space<vmem>> -> memref<1024xf32, #tpu.memory_space<vmem>>
          tpu.enqueue_dma source(%dma_start3A_178 : memref<1024xf32, #tpu.memory_space<vmem>>) target(%dma_start3A_175 : memref<1024xf32, #tpu.memory_space<hbm>>) target_semaphore(%arg13 : memref<!tpu.dma_semaphore, #tpu.memory_space<semaphore_mem>>)
          %mul3A_179 = arith.constant 4 : i32
          %mul3A_180 = arith.muli %add3A_106, %mul3A_179 : i32
          %add3A_181 = arith.constant 2 : i32
          %add3A_182 = arith.addi %mul3A_180, %add3A_181 : i32
          %mul3A_183 = arith.constant 128 : i32
          %mul3A_184 = arith.muli %add3A_182, %mul3A_183 : i32
          %add3A_185 = arith.addi %mul3A_184, %add3A_12 : i32
          %mul3A_186 = arith.constant 1024 : i32
          %mul3A_187 = arith.muli %add3A_185, %mul3A_186 : i32
          %dma_start3A_188 = arith.constant 0 : i32
          %dma_start3A_189 = arith.constant 2048 : i32
          %dma_start3A_190 = tpu.memref_slice %arg8[%dma_start3A_188, %dma_start3A_189] : memref<2x4096xf32, #tpu.memory_space<vmem>> -> memref<1x1024xf32, #tpu.memory_space<vmem>>
          %dma_start3A_191 = tpu.memref_squeeze %dma_start3A_190 : memref<1x1024xf32, #tpu.memory_space<vmem>> -> memref<1024xf32, #tpu.memory_space<vmem>>
          %dma_start3A_192 = tpu.memref_slice %arg4[%mul3A_187] : memref<104333312xf32, #tpu.memory_space<hbm>> -> memref<1024xf32, #tpu.memory_space<hbm>>
          %dma_start3A_193 = tpu.memref_slice %arg4[%mul3A_187] : memref<104333312xf32, #tpu.memory_space<hbm>> -> memref<1024xf32, #tpu.memory_space<hbm>>
          %dma_start3A_194 = arith.constant 2048 : i32
          %dma_start3A_195 = tpu.memref_slice %arg8[%dma_start3A_188, %dma_start3A_194] : memref<2x4096xf32, #tpu.memory_space<vmem>> -> memref<1x1024xf32, #tpu.memory_space<vmem>>
          %dma_start3A_196 = tpu.memref_squeeze %dma_start3A_195 : memref<1x1024xf32, #tpu.memory_space<vmem>> -> memref<1024xf32, #tpu.memory_space<vmem>>
          tpu.enqueue_dma source(%dma_start3A_196 : memref<1024xf32, #tpu.memory_space<vmem>>) target(%dma_start3A_193 : memref<1024xf32, #tpu.memory_space<hbm>>) target_semaphore(%arg13 : memref<!tpu.dma_semaphore, #tpu.memory_space<semaphore_mem>>)
          %mul3A_197 = arith.constant 4 : i32
          %mul3A_198 = arith.muli %add3A_106, %mul3A_197 : i32
          %add3A_199 = arith.constant 3 : i32
          %add3A_200 = arith.addi %mul3A_198, %add3A_199 : i32
          %mul3A_201 = arith.constant 128 : i32
          %mul3A_202 = arith.muli %add3A_200, %mul3A_201 : i32
          %add3A_203 = arith.addi %mul3A_202, %add3A_12 : i32
          %mul3A_204 = arith.constant 1024 : i32
          %mul3A_205 = arith.muli %add3A_203, %mul3A_204 : i32
          %dma_start3A_206 = arith.constant 0 : i32
          %dma_start3A_207 = arith.constant 3072 : i32
          %dma_start3A_208 = tpu.memref_slice %arg8[%dma_start3A_206, %dma_start3A_207] : memref<2x4096xf32, #tpu.memory_space<vmem>> -> memref<1x1024xf32, #tpu.memory_space<vmem>>
          %dma_start3A_209 = tpu.memref_squeeze %dma_start3A_208 : memref<1x1024xf32, #tpu.memory_space<vmem>> -> memref<1024xf32, #tpu.memory_space<vmem>>
          %dma_start3A_210 = tpu.memref_slice %arg4[%mul3A_205] : memref<104333312xf32, #tpu.memory_space<hbm>> -> memref<1024xf32, #tpu.memory_space<hbm>>
          %dma_start3A_211 = tpu.memref_slice %arg4[%mul3A_205] : memref<104333312xf32, #tpu.memory_space<hbm>> -> memref<1024xf32, #tpu.memory_space<hbm>>
          %dma_start3A_212 = arith.constant 3072 : i32
          %dma_start3A_213 = tpu.memref_slice %arg8[%dma_start3A_206, %dma_start3A_212] : memref<2x4096xf32, #tpu.memory_space<vmem>> -> memref<1x1024xf32, #tpu.memory_space<vmem>>
          %dma_start3A_214 = tpu.memref_squeeze %dma_start3A_213 : memref<1x1024xf32, #tpu.memory_space<vmem>> -> memref<1024xf32, #tpu.memory_space<vmem>>
          tpu.enqueue_dma source(%dma_start3A_214 : memref<1024xf32, #tpu.memory_space<vmem>>) target(%dma_start3A_211 : memref<1024xf32, #tpu.memory_space<hbm>>) target_semaphore(%arg13 : memref<!tpu.dma_semaphore, #tpu.memory_space<semaphore_mem>>)
        } else {
        }
        %mul3A_112 = arith.constant 4 : i32
        %mul3A_113 = arith.muli %mul3A_112, %scan3A_87 : i32
        %add3A_114 = arith.constant 3 : i32
        %add3A_115 = arith.addi %mul3A_113, %add3A_114 : i32
        %lt3A_116 = arith.constant 199 : i32
        %lt3A_117 = arith.cmpi slt, %add3A_115, %lt3A_116 : i32
        %convert_element_type3A_118 = arith.extui %lt3A_117 : i1 to i32
        %cond3A_119 = arith.constant 0 : i32
        %cond3A_120 = arith.cmpi ne, %convert_element_type3A_118, %cond3A_119 : i32
        scf.if %cond3A_120 {
          %add3A_121 = arith.constant 3 : i32
          %add3A_122 = arith.addi %add3A_115, %add3A_121 : i32
          %lt3A_123 = arith.constant 199 : i32
          %lt3A_124 = arith.cmpi slt, %add3A_122, %lt3A_123 : i32
          %convert_element_type3A_125 = arith.extui %lt3A_124 : i1 to i32
          %cond3A_126 = arith.constant 0 : i32
          %cond3A_127 = arith.cmpi ne, %convert_element_type3A_125, %cond3A_126 : i32
          scf.if %cond3A_127 {
            %add3A_215 = arith.constant 3 : i32
            %add3A_216 = arith.addi %add3A_115, %add3A_215 : i32
            %mul3A_217 = arith.constant 128 : i32
            %mul3A_218 = arith.muli %add3A_216, %mul3A_217 : i32
            %dma_start3A_219 = arith.constant 2 : i32
            %dma_start3A_220 = arith.constant 0 : i32
            %dma_start3A_221 = arith.constant 0 : i32
            %dma_start3A_222 = tpu.memref_slice %arg7[%dma_start3A_219, %dma_start3A_220, %dma_start3A_221] : memref<4x128x32xf32, #tpu.memory_space<vmem>> -> memref<1x128x32xf32, #tpu.memory_space<vmem>>
            %dma_start3A_223 = tpu.memref_squeeze %dma_start3A_222 : memref<1x128x32xf32, #tpu.memory_space<vmem>> -> memref<128x32xf32, #tpu.memory_space<vmem>>
            %dma_start3A_224 = tpu.memref_slice %arg6[%mul3A_218] : memref<25600xi32, #tpu.memory_space<vmem>> -> memref<128xi32, #tpu.memory_space<vmem>>
            %dma_start3A_225 = arith.constant 0 : i32
            %dma_start3A_226 = arith.constant 0 : i32
            %dma_start3A_227 = tpu.memref_slice %arg3[%dma_start3A_225, %dma_start3A_226] : memref<1000000x32xf32, #tpu.memory_space<hbm>> -> memref<1000000x32xf32, #tpu.memory_space<hbm>>
            tpu.enqueue_indirect_dma source(%dma_start3A_227 : memref<1000000x32xf32, #tpu.memory_space<hbm>>) target(%dma_start3A_223 : memref<128x32xf32, #tpu.memory_space<vmem>>) offsets(%dma_start3A_224 : memref<128xi32, #tpu.memory_space<vmem>>) semaphore(%arg11 : memref<!tpu.dma_semaphore, #tpu.memory_space<semaphore_mem>>)
          } else {
          }
          %mul3A_128 = arith.constant 128 : i32
          %mul3A_129 = arith.muli %add3A_115, %mul3A_128 : i32
          %dma_wait3A_130 = arith.constant 3 : i32
          %dma_wait3A_131 = arith.constant 0 : i32
          %dma_wait3A_132 = arith.constant 0 : i32
          %dma_wait3A_133 = tpu.memref_slice %arg7[%dma_wait3A_130, %dma_wait3A_131, %dma_wait3A_132] : memref<4x128x32xf32, #tpu.memory_space<vmem>> -> memref<1x128x32xf32, #tpu.memory_space<vmem>>
          %dma_wait3A_134 = tpu.memref_squeeze %dma_wait3A_133 : memref<1x128x32xf32, #tpu.memory_space<vmem>> -> memref<128x32xf32, #tpu.memory_space<vmem>>
          %dma_wait3A_135 = tpu.memref_slice %arg6[%mul3A_129] : memref<25600xi32, #tpu.memory_space<vmem>> -> memref<128xi32, #tpu.memory_space<vmem>>
          %dma_wait3A_136 = arith.constant 0 : i32
          %dma_wait3A_137 = arith.constant 0 : i32
          %dma_wait3A_138 = tpu.memref_slice %arg3[%dma_wait3A_136, %dma_wait3A_137] : memref<1000000x32xf32, #tpu.memory_space<hbm>> -> memref<1000000x32xf32, #tpu.memory_space<hbm>>
          tpu.wait_indirect_dma semaphore(%arg12 : memref<!tpu.dma_semaphore, #tpu.memory_space<semaphore_mem>>) src(%dma_wait3A_138 : memref<1000000x32xf32, #tpu.memory_space<hbm>>) dst(%dma_wait3A_134 : memref<128x32xf32, #tpu.memory_space<vmem>>)
          %ge3A = arith.constant 2 : i32
          %ge3A_139 = arith.cmpi sge, %add3A_115, %ge3A : i32
          %convert_element_type3A_140 = arith.extui %ge3A_139 : i1 to i32
          %cond3A_141 = arith.constant 0 : i32
          %cond3A_142 = arith.cmpi ne, %convert_element_type3A_140, %cond3A_141 : i32
          scf.if %cond3A_142 {
            %sub3A = arith.constant 2 : i32
            %sub3A_215 = arith.subi %add3A_115, %sub3A : i32
            %mul3A_216 = arith.constant 4 : i32
            %mul3A_217 = arith.muli %sub3A_215, %mul3A_216 : i32
            %mul3A_218 = arith.constant 128 : i32
            %mul3A_219 = arith.muli %mul3A_217, %mul3A_218 : i32
            %add3A_220 = arith.addi %mul3A_219, %add3A_12 : i32
            %mul3A_221 = arith.constant 1024 : i32
            %mul3A_222 = arith.muli %add3A_220, %mul3A_221 : i32
            %dma_wait3A_223 = arith.constant 1 : i32
            %dma_wait3A_224 = arith.constant 0 : i32
            %dma_wait3A_225 = tpu.memref_slice %arg8[%dma_wait3A_223, %dma_wait3A_224] : memref<2x4096xf32, #tpu.memory_space<vmem>> -> memref<1x4096xf32, #tpu.memory_space<vmem>>
            %dma_wait3A_226 = tpu.memref_squeeze %dma_wait3A_225 : memref<1x4096xf32, #tpu.memory_space<vmem>> -> memref<4096xf32, #tpu.memory_space<vmem>>
            %dma_wait3A_227 = tpu.memref_slice %arg4[%mul3A_222] : memref<104333312xf32, #tpu.memory_space<hbm>> -> memref<4096xf32, #tpu.memory_space<hbm>>
            %dma_wait3A_228 = tpu.memref_slice %arg4[%mul3A_222] : memref<104333312xf32, #tpu.memory_space<hbm>> -> memref<4096xf32, #tpu.memory_space<hbm>>
            %dma_wait3A_229 = arith.constant 0 : i32
            %dma_wait3A_230 = tpu.memref_slice %arg8[%dma_wait3A_223, %dma_wait3A_229] : memref<2x4096xf32, #tpu.memory_space<vmem>> -> memref<1x4096xf32, #tpu.memory_space<vmem>>
            %dma_wait3A_231 = tpu.memref_squeeze %dma_wait3A_230 : memref<1x4096xf32, #tpu.memory_space<vmem>> -> memref<4096xf32, #tpu.memory_space<vmem>>
            tpu.wait_dma2 semaphore(%arg14 : memref<!tpu.dma_semaphore, #tpu.memory_space<semaphore_mem>>) src(%dma_wait3A_231 : memref<4096xf32, #tpu.memory_space<vmem>>) dst(%dma_wait3A_228 : memref<4096xf32, #tpu.memory_space<hbm>>)
          } else {
          }
          %mul3A_143 = arith.constant 4 : i32
          %mul3A_144 = arith.muli %add3A_115, %mul3A_143 : i32
          %add3A_145 = arith.constant 0 : i32
          %add3A_146 = arith.addi %mul3A_144, %add3A_145 : i32
          %mul3A_147 = arith.constant 128 : i32
          %mul3A_148 = arith.muli %add3A_146, %mul3A_147 : i32
          %add3A_149 = arith.addi %mul3A_148, %add3A_12 : i32
          %mul3A_150 = arith.constant 1024 : i32
          %mul3A_151 = arith.muli %add3A_149, %mul3A_150 : i32
          %dma_start3A_152 = arith.constant 1 : i32
          %dma_start3A_153 = arith.constant 0 : i32
          %dma_start3A_154 = tpu.memref_slice %arg8[%dma_start3A_152, %dma_start3A_153] : memref<2x4096xf32, #tpu.memory_space<vmem>> -> memref<1x1024xf32, #tpu.memory_space<vmem>>
          %dma_start3A_155 = tpu.memref_squeeze %dma_start3A_154 : memref<1x1024xf32, #tpu.memory_space<vmem>> -> memref<1024xf32, #tpu.memory_space<vmem>>
          %dma_start3A_156 = tpu.memref_slice %arg4[%mul3A_151] : memref<104333312xf32, #tpu.memory_space<hbm>> -> memref<1024xf32, #tpu.memory_space<hbm>>
          %dma_start3A_157 = tpu.memref_slice %arg4[%mul3A_151] : memref<104333312xf32, #tpu.memory_space<hbm>> -> memref<1024xf32, #tpu.memory_space<hbm>>
          %dma_start3A_158 = arith.constant 0 : i32
          %dma_start3A_159 = tpu.memref_slice %arg8[%dma_start3A_152, %dma_start3A_158] : memref<2x4096xf32, #tpu.memory_space<vmem>> -> memref<1x1024xf32, #tpu.memory_space<vmem>>
          %dma_start3A_160 = tpu.memref_squeeze %dma_start3A_159 : memref<1x1024xf32, #tpu.memory_space<vmem>> -> memref<1024xf32, #tpu.memory_space<vmem>>
          tpu.enqueue_dma source(%dma_start3A_160 : memref<1024xf32, #tpu.memory_space<vmem>>) target(%dma_start3A_157 : memref<1024xf32, #tpu.memory_space<hbm>>) target_semaphore(%arg14 : memref<!tpu.dma_semaphore, #tpu.memory_space<semaphore_mem>>)
          %mul3A_161 = arith.constant 4 : i32
          %mul3A_162 = arith.muli %add3A_115, %mul3A_161 : i32
          %add3A_163 = arith.constant 1 : i32
          %add3A_164 = arith.addi %mul3A_162, %add3A_163 : i32
          %mul3A_165 = arith.constant 128 : i32
          %mul3A_166 = arith.muli %add3A_164, %mul3A_165 : i32
          %add3A_167 = arith.addi %mul3A_166, %add3A_12 : i32
          %mul3A_168 = arith.constant 1024 : i32
          %mul3A_169 = arith.muli %add3A_167, %mul3A_168 : i32
          %dma_start3A_170 = arith.constant 1 : i32
          %dma_start3A_171 = arith.constant 1024 : i32
          %dma_start3A_172 = tpu.memref_slice %arg8[%dma_start3A_170, %dma_start3A_171] : memref<2x4096xf32, #tpu.memory_space<vmem>> -> memref<1x1024xf32, #tpu.memory_space<vmem>>
          %dma_start3A_173 = tpu.memref_squeeze %dma_start3A_172 : memref<1x1024xf32, #tpu.memory_space<vmem>> -> memref<1024xf32, #tpu.memory_space<vmem>>
          %dma_start3A_174 = tpu.memref_slice %arg4[%mul3A_169] : memref<104333312xf32, #tpu.memory_space<hbm>> -> memref<1024xf32, #tpu.memory_space<hbm>>
          %dma_start3A_175 = tpu.memref_slice %arg4[%mul3A_169] : memref<104333312xf32, #tpu.memory_space<hbm>> -> memref<1024xf32, #tpu.memory_space<hbm>>
          %dma_start3A_176 = arith.constant 1024 : i32
          %dma_start3A_177 = tpu.memref_slice %arg8[%dma_start3A_170, %dma_start3A_176] : memref<2x4096xf32, #tpu.memory_space<vmem>> -> memref<1x1024xf32, #tpu.memory_space<vmem>>
          %dma_start3A_178 = tpu.memref_squeeze %dma_start3A_177 : memref<1x1024xf32, #tpu.memory_space<vmem>> -> memref<1024xf32, #tpu.memory_space<vmem>>
          tpu.enqueue_dma source(%dma_start3A_178 : memref<1024xf32, #tpu.memory_space<vmem>>) target(%dma_start3A_175 : memref<1024xf32, #tpu.memory_space<hbm>>) target_semaphore(%arg14 : memref<!tpu.dma_semaphore, #tpu.memory_space<semaphore_mem>>)
          %mul3A_179 = arith.constant 4 : i32
          %mul3A_180 = arith.muli %add3A_115, %mul3A_179 : i32
          %add3A_181 = arith.constant 2 : i32
          %add3A_182 = arith.addi %mul3A_180, %add3A_181 : i32
          %mul3A_183 = arith.constant 128 : i32
          %mul3A_184 = arith.muli %add3A_182, %mul3A_183 : i32
          %add3A_185 = arith.addi %mul3A_184, %add3A_12 : i32
          %mul3A_186 = arith.constant 1024 : i32
          %mul3A_187 = arith.muli %add3A_185, %mul3A_186 : i32
          %dma_start3A_188 = arith.constant 1 : i32
          %dma_start3A_189 = arith.constant 2048 : i32
          %dma_start3A_190 = tpu.memref_slice %arg8[%dma_start3A_188, %dma_start3A_189] : memref<2x4096xf32, #tpu.memory_space<vmem>> -> memref<1x1024xf32, #tpu.memory_space<vmem>>
          %dma_start3A_191 = tpu.memref_squeeze %dma_start3A_190 : memref<1x1024xf32, #tpu.memory_space<vmem>> -> memref<1024xf32, #tpu.memory_space<vmem>>
          %dma_start3A_192 = tpu.memref_slice %arg4[%mul3A_187] : memref<104333312xf32, #tpu.memory_space<hbm>> -> memref<1024xf32, #tpu.memory_space<hbm>>
          %dma_start3A_193 = tpu.memref_slice %arg4[%mul3A_187] : memref<104333312xf32, #tpu.memory_space<hbm>> -> memref<1024xf32, #tpu.memory_space<hbm>>
          %dma_start3A_194 = arith.constant 2048 : i32
          %dma_start3A_195 = tpu.memref_slice %arg8[%dma_start3A_188, %dma_start3A_194] : memref<2x4096xf32, #tpu.memory_space<vmem>> -> memref<1x1024xf32, #tpu.memory_space<vmem>>
          %dma_start3A_196 = tpu.memref_squeeze %dma_start3A_195 : memref<1x1024xf32, #tpu.memory_space<vmem>> -> memref<1024xf32, #tpu.memory_space<vmem>>
          tpu.enqueue_dma source(%dma_start3A_196 : memref<1024xf32, #tpu.memory_space<vmem>>) target(%dma_start3A_193 : memref<1024xf32, #tpu.memory_space<hbm>>) target_semaphore(%arg14 : memref<!tpu.dma_semaphore, #tpu.memory_space<semaphore_mem>>)
          %mul3A_197 = arith.constant 4 : i32
          %mul3A_198 = arith.muli %add3A_115, %mul3A_197 : i32
          %add3A_199 = arith.constant 3 : i32
          %add3A_200 = arith.addi %mul3A_198, %add3A_199 : i32
          %mul3A_201 = arith.constant 128 : i32
          %mul3A_202 = arith.muli %add3A_200, %mul3A_201 : i32
          %add3A_203 = arith.addi %mul3A_202, %add3A_12 : i32
          %mul3A_204 = arith.constant 1024 : i32
          %mul3A_205 = arith.muli %add3A_203, %mul3A_204 : i32
          %dma_start3A_206 = arith.constant 1 : i32
          %dma_start3A_207 = arith.constant 3072 : i32
          %dma_start3A_208 = tpu.memref_slice %arg8[%dma_start3A_206, %dma_start3A_207] : memref<2x4096xf32, #tpu.memory_space<vmem>> -> memref<1x1024xf32, #tpu.memory_space<vmem>>
          %dma_start3A_209 = tpu.memref_squeeze %dma_start3A_208 : memref<1x1024xf32, #tpu.memory_space<vmem>> -> memref<1024xf32, #tpu.memory_space<vmem>>
          %dma_start3A_210 = tpu.memref_slice %arg4[%mul3A_205] : memref<104333312xf32, #tpu.memory_space<hbm>> -> memref<1024xf32, #tpu.memory_space<hbm>>
          %dma_start3A_211 = tpu.memref_slice %arg4[%mul3A_205] : memref<104333312xf32, #tpu.memory_space<hbm>> -> memref<1024xf32, #tpu.memory_space<hbm>>
          %dma_start3A_212 = arith.constant 3072 : i32
          %dma_start3A_213 = tpu.memref_slice %arg8[%dma_start3A_206, %dma_start3A_212] : memref<2x4096xf32, #tpu.memory_space<vmem>> -> memref<1x1024xf32, #tpu.memory_space<vmem>>
          %dma_start3A_214 = tpu.memref_squeeze %dma_start3A_213 : memref<1x1024xf32, #tpu.memory_space<vmem>> -> memref<1024xf32, #tpu.memory_space<vmem>>
          tpu.enqueue_dma source(%dma_start3A_214 : memref<1024xf32, #tpu.memory_space<vmem>>) target(%dma_start3A_211 : memref<1024xf32, #tpu.memory_space<hbm>>) target_semaphore(%arg14 : memref<!tpu.dma_semaphore, #tpu.memory_space<semaphore_mem>>)
        } else {
        }
      }
      %scan3A_60 = arith.constant 50 : i32
      %add3A_61 = arith.constant 100864 : i32
      %add3A_62 = arith.addi %add3A_61, %add3A_12 : i32
      %mul3A_63 = arith.constant 1024 : i32
      %mul3A_64 = arith.muli %add3A_62, %mul3A_63 : i32
      %dma_wait3A_65 = arith.constant 1 : i32
      %dma_wait3A_66 = arith.constant 0 : i32
      %dma_wait3A_67 = tpu.memref_slice %arg8[%dma_wait3A_65, %dma_wait3A_66] : memref<2x4096xf32, #tpu.memory_space<vmem>> -> memref<1x4096xf32, #tpu.memory_space<vmem>>
      %dma_wait3A_68 = tpu.memref_squeeze %dma_wait3A_67 : memref<1x4096xf32, #tpu.memory_space<vmem>> -> memref<4096xf32, #tpu.memory_space<vmem>>
      %dma_wait3A_69 = tpu.memref_slice %arg4[%mul3A_64] : memref<104333312xf32, #tpu.memory_space<hbm>> -> memref<4096xf32, #tpu.memory_space<hbm>>
      %dma_wait3A_70 = tpu.memref_slice %arg4[%mul3A_64] : memref<104333312xf32, #tpu.memory_space<hbm>> -> memref<4096xf32, #tpu.memory_space<hbm>>
      %dma_wait3A_71 = arith.constant 0 : i32
      %dma_wait3A_72 = tpu.memref_slice %arg8[%dma_wait3A_65, %dma_wait3A_71] : memref<2x4096xf32, #tpu.memory_space<vmem>> -> memref<1x4096xf32, #tpu.memory_space<vmem>>
      %dma_wait3A_73 = tpu.memref_squeeze %dma_wait3A_72 : memref<1x4096xf32, #tpu.memory_space<vmem>> -> memref<4096xf32, #tpu.memory_space<vmem>>
      tpu.wait_dma2 semaphore(%arg14 : memref<!tpu.dma_semaphore, #tpu.memory_space<semaphore_mem>>) src(%dma_wait3A_73 : memref<4096xf32, #tpu.memory_space<vmem>>) dst(%dma_wait3A_70 : memref<4096xf32, #tpu.memory_space<hbm>>)
      %add3A_74 = arith.constant 101376 : i32
      %add3A_75 = arith.addi %add3A_74, %add3A_12 : i32
      %mul3A_76 = arith.constant 1024 : i32
      %mul3A_77 = arith.muli %add3A_75, %mul3A_76 : i32
      %dma_wait3A_78 = arith.constant 0 : i32
      %dma_wait3A_79 = arith.constant 0 : i32
      %dma_wait3A_80 = tpu.memref_slice %arg8[%dma_wait3A_78, %dma_wait3A_79] : memref<2x4096xf32, #tpu.memory_space<vmem>> -> memref<1x4096xf32, #tpu.memory_space<vmem>>
      %dma_wait3A_81 = tpu.memref_squeeze %dma_wait3A_80 : memref<1x4096xf32, #tpu.memory_space<vmem>> -> memref<4096xf32, #tpu.memory_space<vmem>>
      %dma_wait3A_82 = tpu.memref_slice %arg4[%mul3A_77] : memref<104333312xf32, #tpu.memory_space<hbm>> -> memref<4096xf32, #tpu.memory_space<hbm>>
      %dma_wait3A_83 = tpu.memref_slice %arg4[%mul3A_77] : memref<104333312xf32, #tpu.memory_space<hbm>> -> memref<4096xf32, #tpu.memory_space<hbm>>
      %dma_wait3A_84 = arith.constant 0 : i32
      %dma_wait3A_85 = tpu.memref_slice %arg8[%dma_wait3A_78, %dma_wait3A_84] : memref<2x4096xf32, #tpu.memory_space<vmem>> -> memref<1x4096xf32, #tpu.memory_space<vmem>>
      %dma_wait3A_86 = tpu.memref_squeeze %dma_wait3A_85 : memref<1x4096xf32, #tpu.memory_space<vmem>> -> memref<4096xf32, #tpu.memory_space<vmem>>
      tpu.wait_dma2 semaphore(%arg13 : memref<!tpu.dma_semaphore, #tpu.memory_space<semaphore_mem>>) src(%dma_wait3A_86 : memref<4096xf32, #tpu.memory_space<vmem>>) dst(%dma_wait3A_83 : memref<4096xf32, #tpu.memory_space<hbm>>)
    }
    %scan3A_8 = arith.constant 4 : i32
    return
  }
}

</mosaic_0001>

<sc_bundles>
// kernel: kernel.3.cloned.1.call-start
scs
__scs_entry_jumppad:
0x0: {  	(pc) =	sbr.rel $0x88, $3  }
0x1: {  	(tag) =	ssettag $0x0;
	lr =	simm.s32 $0x1  }
0x2: {  	[smem:$0x3F9F] =	sst lr;
	_ =	strace $0xD0000000  }
0x3: {  	_ = 	snop  }
0x4: {  	_ = 	snop  }
0x5: {  	_ = 	snop  }
0x6: {  	_ = 	snop  }
0x7: {  	_ = 	snop  }
__scs_overlays_trampoline_lowered:
0x8: {  	[smem:$0x3FAE] =	sst s0  }
0x9: {  	[smem:$0x3FAF] =	sst s1  }
0xa: {  	[smem:$0x3FB0] =	sst s2  }
0xb: {  	[smem:$0x3FB1] =	sst s3  }
0xc: {  	[smem:$0x3FB2] =	sst s4  }
0xd: {  	[smem:$0x3FB3] =	sst s5  }
0xe: {  	[smem:$0x3FB4] =	sst s6  }
0xf: {  	[smem:$0x3FB5] =	sst s7  }
0x10: {  	[smem:$0x3FB6] =	sst s8  }
0x11: {  	[smem:$0x3FB7] =	sst s9;
	s0 =	simm.s32 @!p0 $0x0  }
0x12: {  	s1 =	sld [smem:$0x3F9D];
	s0 =	simm.s32 @p0 $0x1  }
0x13: {  	[smem:$0x3FB8] =	sst s0;
	s0 =	simm.s32 @!p1 $0x0  }
0x14: {  	s2 =	sld [smem:$0x3F9C];
	s0 =	simm.s32 @p1 $0x1  }
0x15: {  	[smem:$0x3FB9] =	sst s0;
	s0 =	simm.s32 @!p2 $0x0  }
0x16: {  	s3 =	sld [smem:$0x3FDB];
	s0 =	simm.s32 @p2 $0x1  }
0x17: {  	s4 =	simm.s32 $0x1BF5;
	[smem:$0x3FBB] =	sst s0  }
0x18: {  	s0 =	sld [smem:$0x3F9E];
	_ =	swait.ge [sflag:s4], $0x0  }
0x19: {  	s7 =	sld [smem:$0x3F9F]  }
0x1a: {  	s8 =	sadd.s32 $0xFFFFE003, lr  }
0x1b: {  	s9 =	sadd.s32 $0xFFFFFEF7, lr;
	s5 =	simm.s32 $0xFFFFFFFF;
	p2 =	slt.u32 s8, $0xFFFFF086  }
0x1c: {  	p1 =	slt.u32 s9, $0xF7A;
	s5 =	simm.s32 @!p2 $0x0  }
0x1d: {  	s5 =	simm.s32 @p1 $0x1;
	p0 =	seq.s32 s7, s2  }
0x1e: {  	s7 =	smul.u32 @!p0 $0xF7A, s2;
	p2 =	seq.s32 @!p0 s5, $0x0  }
0x1f: {  	s9 =	smul.u32 $0xF7A, s1;
	s8 =	simm.s32 @!p0 $0x1BF5;
	p2 =	por !p2, p0  }
0x20: {  	[sflag:s8] =	ssyncset.s32 @!p0 $0xFFFFF086;
	s6 =	sadd.s32 @!p0 s3, s7;
	s7 =	simm.s32 @!p0 $0x108  }
0x21: {  	s3 =	sadd.s32 s3, s9;
	s6 =	sadd.s32 @!p0 $0x88, s6;
	s7 =	simm.s32 @p2 $0x1082  }
0x22: {  	[simem:s7], [sflag:s8] =	dma.local @!p0 [hbm:s6], $0xF7A  }
0x23: {  	s9 =	sor.u32 $0xD0000000, s2;
	s6 =	simm.s32 $0x108;
	_ =	swait.ge @!p0 [sflag:s8], $0x0  }
0x24: {  	s3 =	sadd.s32 $0x88, s3;
	s6 =	simm.s32 @!p1 $0x1082;
	[sflag:s4] =	ssyncset.s32 $0xFFFFF086  }
0x25: {  	[simem:s6], [sflag:s4] =	dma.local [hbm:s3], $0xF7A  }
0x26: {  	[smem:$0x3F9F] =	sst s1;
	(tag) =	ssettag s2;
	_ =	strace s9  }
0x27: {  	s1 =	sld [smem:$0x3FAF]  }
0x28: {  	s2 =	sld [smem:$0x3FB0]  }
0x29: {  	s4 =	sld [smem:$0x3FB2]  }
0x2a: {  	p0 =	seq.s32 s5, $0x0;
	s5 =	sld [smem:$0x3FB3]  }
0x2b: {  	s6 =	sld [smem:$0x3FB4]  }
0x2c: {  	s7 =	sld [smem:$0x3FB5]  }
0x2d: {  	s3 =	simm.s32 $0x108;
	s8 =	sld [smem:$0x3FB6]  }
0x2e: {  	s3 =	simm.s32 @!p0 $0x1082;
	s9 =	sld [smem:$0x3FB7]  }
0x2f: {  	lr =	sadd.s32 s0, s3;
	s0 =	sld [smem:$0x3FAE]  }
0x30: {  	s3 =	sld [smem:$0x3FB1]  }
0x31: {  	[smem:$0x3FBA] =	sst s10  }
0x32: {  	s10 =	sld [smem:$0x3FB8];
	_ =	sdelay $0x3  }
0x33: {  	p0 =	seq.s32 s10, $0x1;
	s10 =	sld [smem:$0x3FBA];
	_ =	sdelay $0x3  }
0x34: {  	[smem:$0x3FBA] =	sst s10  }
0x35: {  	s10 =	sld [smem:$0x3FB9];
	_ =	sdelay $0x3  }
0x36: {  	p1 =	seq.s32 s10, $0x1;
	s10 =	sld [smem:$0x3FBA];
	_ =	sdelay $0x3  }
0x37: {  	[smem:$0x3FBA] =	sst s10  }
0x38: {  	s10 =	sld [smem:$0x3FBB]  }
0x39: {  	_ = 	snop;
	(pc) =	sbr.ind lr, $3  }
0x3a: {  	_ = 	snop  }
0x3b: {  	_ = 	snop  }
0x3c: {  	p2 =	seq.s32 s10, $0x1;
	s10 =	sld [smem:$0x3FBA]  }
0x3d: {  	_ =	shalt  }
0x3e: {  	_ =	shalt  }
0x3f: {  	_ =	shalt  }
0x40: {  	_ =	shalt  }
0x41: {  	_ =	shalt  }
0x42: {  	_ =	shalt  }
0x43: {  	_ =	shalt  }
0x44: {  	_ =	shalt  }
0x45: {  	_ =	shalt  }
0x46: {  	_ =	shalt  }
0x47: {  	_ =	shalt  }
0x48: {  	_ =	shalt  }
0x49: {  	_ =	shalt  }
0x4a: {  	_ =	shalt  }
0x4b: {  	_ =	shalt  }
0x4c: {  	_ =	shalt  }
0x4d: {  	_ =	shalt  }
0x4e: {  	_ =	shalt  }
0x4f: {  	_ =	shalt  }
0x50: {  	_ =	shalt  }
0x51: {  	_ =	shalt  }
0x52: {  	_ =	shalt  }
0x53: {  	_ =	shalt  }
0x54: {  	_ =	shalt  }
0x55: {  	_ =	shalt  }
0x56: {  	_ =	shalt  }
0x57: {  	_ =	shalt  }
0x58: {  	_ =	shalt  }
0x59: {  	_ =	shalt  }
0x5a: {  	_ =	shalt  }
0x5b: {  	_ =	shalt  }
0x5c: {  	_ =	shalt  }
0x5d: {  	_ =	shalt  }
0x5e: {  	_ =	shalt  }
0x5f: {  	_ =	shalt  }
0x60: {  	_ =	shalt  }
0x61: {  	_ =	shalt  }
0x62: {  	_ =	shalt  }
0x63: {  	_ =	shalt  }
0x64: {  	_ =	shalt  }
0x65: {  	_ =	shalt  }
0x66: {  	_ =	shalt  }
0x67: {  	_ =	shalt  }
0x68: {  	_ =	shalt  }
0x69: {  	_ =	shalt  }
0x6a: {  	_ =	shalt  }
0x6b: {  	_ =	shalt  }
0x6c: {  	_ =	shalt  }
0x6d: {  	_ =	shalt  }
0x6e: {  	_ =	shalt  }
0x6f: {  	_ =	shalt  }
0x70: {  	_ =	shalt  }
0x71: {  	_ =	shalt  }
0x72: {  	_ =	shalt  }
0x73: {  	_ =	shalt  }
0x74: {  	_ =	shalt  }
0x75: {  	_ =	shalt  }
0x76: {  	_ =	shalt  }
0x77: {  	_ =	shalt  }
0x78: {  	_ =	shalt  }
0x79: {  	_ =	shalt  }
0x7a: {  	_ =	shalt  }
0x7b: {  	_ =	shalt  }
0x7c: {  	_ =	shalt  }
0x7d: {  	_ =	shalt  }
0x7e: {  	_ =	shalt  }
0x7f: {  	_ =	shalt  }
0x80: {  	_ =	shalt  }
0x81: {  	_ =	shalt  }
0x82: {  	_ =	shalt  }
0x83: {  	_ =	shalt  }
0x84: {  	_ =	shalt  }
0x85: {  	_ =	shalt  }
0x86: {  	_ =	shalt  }
0x87: {  	_ =	shalt  }
.Lfunc_end0:
.L_simem_size_0:
called_computation_lowered:
.L_overlay_start_0:
0x88: {  	s2 =	sld [smem:$0x3FD9]  }
0x89: {  	s3 =	sld [smem:$0x3FFE];
	_ =	sdelay $0x1  }
0x8a: {  	s1 =	srdreg.scid  }
0x8b: {  	s0 =	sand.u32 $0x1, s1  }
0x8c: {  	s17 =	sshll.u32 s0, $0xA;
	s2 =	sadd.s32 s3, s2  }
0x8d: {  	s2 =	sadd.s32 s2, s17  }
0x8e: {  	[smem:$0x3FC6] =	sst s2  }
0x8f: {  	_ = 	snop  }
0x90: {  	s2 =	sld [smem:$0x3FD0];
	(tm) =	ssettm $0x1  }
0x91: {  	s18 =	sld [smem:$0x3FFB];
	_ =	sdelay $0x3  }
0x92: {  	_ =	strace s18  }
0x93: {  	s3 =	sld [smem:$0x3FFC];
	_ =	sdelay $0x3  }
0x94: {  	_ =	strace s3  }
0x95: {  	s3 =	sld [smem:$0x3FFD];
	_ =	sdelay $0x3  }
0x96: {  	_ =	strace s3  }
0x97: {  	_ =	strace $0x8FFFFFFF  }
0x98: {  	s19 =	sld [smem:$0x3FDB];
	_ =	sdelay $0x1  }
0x99: {  	s4 =	simm.s32 $_scs_section_size  }
0x9a: {  	s5 =	simm.s32 $_size__tile_overlayer_lowered;
	s6 =	simm.s32 $_tile_overlayer_lowered  }
0x9b: {  	s22 =	simm.s32 $0x1BFF;
	s21 =	sshll.u32 s6, $0x1;
	s3 =	sadd.s32 s4, s19  }
0x9c: {  	s7 =	simm.s32 $0x0;
	s20 =	sshll.u32 s5, $0x1;
	s5 =	sadd.s32 s21, s3  }
0x9d: {  	[timem:s7], [sflag:s22] =	dma.local [hbm:s5], s20  }
0x9e: {  	_ =	swait.ge [sflag:s22], s20  }
0x9f: {  	s4 =	ssub.s32 $0x0, s20;
	[sflag:s22] =	ssyncset.done $0x0  }
0xa0: {  	[sflag:s22] =	ssyncadd.s32 s4;
	_ =	sdelay $0x1  }
0xa1: {  	s23 =	simm.s32 $0x1B8B  }
0xa2: {  	_ =	swait.ge [sflag:s23], $0x1  }
0xa3: {  	[sflag:s23] =	ssyncset.done $0x0  }
0xa4: {  	s25 =	simm.s32 $0x1B8E;
	s24 =	sld [smem:$0x3FFE];
	[sflag:s23] =	ssyncadd.s32 $0xFFFFFFFF  }
0xa5: {  	s26 =	simm.s32 $execute0_lowered;
	[smem:$0x3FD2] =	sst s25  }
0xa6: {  	s5 =	sshll.u32 s26, $0x1;
	_ =	strace $0x80000046;
	[dreg:$0x1] =	wrdreg $0xFFFFFFFF  }
0xa7: {  	s28 =	simm.s32 $_size_execute0_lowered;
	s3 =	sadd.s32 s3, s5;
	[dreg:$0x0] =	wrdreg $0x0  }
0xa8: {  	s5 =	sshll.u32 s28, $0x1;
	[dreg:$0x2] =	wrdreg s3  }
0xa9: {  	[dreg:$0x3] =	wrdreg s5  }
0xaa: {  	[dreg:$0x4] =	wrdreg $0xC0  }
0xab: {  	_ =	task [dreg:s7], $0x5FFFF  }
0xac: {  	[dreg:$0x1] =	wrdreg $0xFFFFFFFF  }
0xad: {  	[dreg:$0x0] =	wrdreg $0x60  }
0xae: {  	[dreg:$0x2] =	wrdreg s24  }
0xaf: {  	[dreg:$0x3] =	wrdreg s2  }
0xb0: {  	[dreg:$0x4] =	wrdreg $0x9  }
0xb1: {  	_ =	task.clear_ibuf [dreg:s7], $0x5FFFF;
	_ =	strace $0x90000046  }
0xb2: {  	s29 =	simm.s32 $0x9;
	_ =	strace $0x80000048  }
0xb3: {  	_ =	swait.ge [sflag:s29], $0x1  }
0xb4: {  	[sflag:s29] =	ssyncadd.s32 $0xFFFFFFFF  }
0xb5: {  	_ =	strace $0x90000048  }
0xb6: {  	_ =	sfence  }
0xb7: {  	s30 =	sld [smem:$0x0];
	_ =	sdelay $0x2  }
0xb8: {  	s31 =	sshll.u32 s1, $0xD;
	s1 =	sshrl.u32 s1, $0x2  }
0xb9: {  	s3 =	sand.u32 $0x4000, s31;
	s1 =	sadd.s32 s1, s30  }
0xba: {  	s0 =	sor.u32 s3, s0;
	s1 =	sshll.u32 s1, $0x11  }
0xbb: {  	s0 =	sor.u32 s1, s0  }
0xbc: {  	s0 =	sadd.s32 $0x8F2B, s0  }
0xbd: {  	[sflag:s0] =	ssyncadd.remote.s32 $0x1  }
0xbe: {  	_ =	sfence.sel $0xFFFF  }
0xbf: {  	[dreg:$0x0] =	wrdreg $0xFFFFFFFF;
	(pc) =	sbr.abs _section_cstart, $3  }
0xc0: {  	[dreg:$0x1] =	wrdreg $0xFFFFFFFF  }
0xc1: {  	_ =	task.clear_ibuf [dreg:s7], $0x2FFFF;
	_ =	strace $0x9FFFFFFF  }
0xc2: {  	(tm) =	ssettm $0x7FFFFFFF  }
0xc3: {  	_ =	shalt  }
tec
execute0_lowered:
.L_overlay_start_1:
0x0: {  	(tag) =	ssettag $0x1  }
0x1: {  	s0 =	rddreg [dreg:$0x0]  }
0x2: {  	s1 =	rddreg [dreg:$0x1]  }
0x3: {  	s2 =	simm.s32 $0x0;
	s3 =	srdreg.scid;
	s8 =	stileid.u32  }
0x4: {  	s11 =	simm.s32 $0x6400;
	s12 =	simm.s32 $0x80;
	s18 =	simm.s32 $0x1  }
0x5: {  	s19 =	simm.s32 $0x10800;
	s20 =	simm.s32 $0x10C00;
	s28 =	simm.s32 $0x12000  }
0x6: {  	s29 =	simm.s32 $0x12400;
	s30 =	simm.s32 $0x3;
	s31 =	simm.s32 $0x5  }
0x7: {  	[smem:$0x7FF] =	sst s2;
	s4 =	sadd.s32 $0x600, s0;
	s3 =	sand.u32 $0x1, s3  }
0x8: {  	s5 =	sadd.s32 $0xF42A00, s0;
	s6 =	sshll.u32 s8, $0x3;
	s24 =	sshll.u32 s8, $0xA  }
0x9: {  	_ =	strace $0x80000047;
	[dreg:$0x3] =	wrdreg s4;
	s21 =	ssub.s32 $0x2, s3  }
0xa: {  	v0 =	vlaneseq.u32;
	s7 =	sshll.u32 s3, $0x2;
	s25 =	sadd.s32 s24, s1;
	s3 =	sshll.u32 s3, $0x9  }
0xb: {  	v0 =	vmul.u32 $0x80, v0;
	s22 =	sshrl.u32 s21, $0x1;
	s23 =	sor.u32 s7, s6;
	s26 =	sor.u32 s3, s24  }
.Ltmp0:
0xc: {  	s24 =	simm.s32 $0x6;
	[dreg:$0x4] =	wrdreg s23;
	(pc) =	sbr.rel .LBB2_1-.Ltmp0, $4  }
0xd: {  	v1 =	vor.u32 $0x800, v0;
	v2 =	vor.u32 $0x1000, v0;
	v3 =	vor.u32 $0x1800, v0;
	s0 =	ssub.s32 s21, s22;
	[dreg:$0x7] =	wrdreg s26;
	s21 =	simm.s32 $0x11000  }
0xe: {  	v4 =	vor.u32 $0x2000, v0;
	v5 =	vor.u32 $0x2800, v0;
	v6 =	vor.u32 $0x3000, v0;
	s22 =	simm.s32 $0x11400;
	s23 =	simm.s32 $0x2;
	s0 =	smax.u32 s0, $0x1  }
0xf: {  	v7 =	vor.u32 $0x3800, v0;
	v8 =	vor.u32 $0x4000, v0;
	v9 =	vor.u32 $0x4800, v0;
	s26 =	simm.s32 $0x11C00;
	[dreg:$0x5] =	wrdreg s0;
	s0 =	sadd.s32 s3, s25  }
0x10: {  	v10 =	vor.u32 $0x5000, v0;
	v11 =	vor.u32 $0x5800, v0;
	v12 =	vadd.s32 $0x5C00, v0;
	s25 =	simm.s32 $0x11800;
	s3 =	simm.s32 $0x0;
	[dreg:$0x6] =	wrdreg s0  }
.LBB2_11:
0x11: {  	s3 =	rddreg [dreg:$0x8]  }
0x12: {  	s0 =	rddreg [dreg:$0x5];
	s3 =	sadd.s32 $0x1, s3  }
0x13: {  	p0 =	sne.s32 s3, s0  }
.Ltmp1:
0x14: {  	_ = 	snop;
	(pc) =	sbr.rel @!p0 .LBB2_12-.Ltmp1, $1  }
0x15: {  	_ =	sdelay $0x3  }
.LBB2_1:
.Ltmp2:
0x16: {  	(pc) =	sbr.rel .LBB2_2-.Ltmp2, $4  }
0x17: {  	_ = 	snop  }
0x18: {  	[dreg:$0x8] =	wrdreg s3  }
0x19: {  	s9 =	rddreg [dreg:$0x7]  }
0x1a: {  	s8 =	rddreg [dreg:$0x6];
	s3 =	simm.s32 $0x0  }
.LBB2_10:
0x1b: {  	_ =	swait.ge [sflag:s24], $0x1000  }
0x1c: {  	[sflag:s24] =	ssyncset.done $0x0  }
0x1d: {  	[sflag:s24] =	ssyncadd.s32 $0xFFFFF000  }
0x1e: {  	_ =	swait.ge [sflag:s31], $0x1000  }
0x1f: {  	s3 =	rddreg [dreg:$0x9]  }
0x20: {  	s3 =	sadd.s32 $0x1, s3  }
0x21: {  	p0 =	sne.s32 s3, $0x4  }
.Ltmp3:
0x22: {  	_ = 	snop;
	(pc) =	sbr.rel @!p0 .LBB2_11-.Ltmp3, $3  }
0x23: {  	_ =	sdelay $0x1  }
0x24: {  	[sflag:s31] =	ssyncset.done $0x0  }
0x25: {  	s8 =	sadd.s32 $0x80, s8;
	s9 =	sadd.s32 $0x80, s9;
	[sflag:s31] =	ssyncadd.s32 $0xFFFFF000  }
.LBB2_2:
0x26: {  	s0 =	rddreg [dreg:$0x4]  }
0x27: {  	s0 =	sadd.s32 s0, s3  }
0x28: {  	[dreg:$0x9] =	wrdreg s3;
	s0 =	smul.u32 $0xC80, s0  }
0x29: {  	s16 =	rddreg [dreg:$0x3]  }
0x2a: {  	s4 =	simm.s32 $0x0;
	s17 =	simm.s32 $0x7;
	s0 =	sadd.s32 s16, s0  }
0x2b: {  	[tilespmem:s4], [sflag:$0x7] =	stream.linear.gather [hbm4b:s0+s4], $0x6400, $0x38;
	[tilespmem:$0x12800] =	vst v63  }
0x2c: {  	_ =	swait.ge [sflag:s17], $0x6400  }
0x2d: {  	[sflag:s17] =	ssyncset.done $0x0  }
0x2e: {  	s6 =	simm.s32 $0x190;
	s10 =	simm.s32 $0x1;
	[sflag:s17] =	ssyncadd.s32 $0xFFFF9C00  }
0x2f: {  	v16 =	vor.u32 s10, v0;
	v15 =	vld [tilespmem:s6+$0xFFFFFF38]  }
0x30: {  	s17 =	simm.s32 $0x2  }
0x31: {  	v17 =	vld [tilespmem:s6+$0x0];
	v18 =	vor.u32 s17, v0  }
0x32: {  	s7 =	simm.s32 $0x3;
	v20 =	vor.u32 s4, v0;
	v19 =	vld [tilespmem:s6+$0xFFFFFE70]  }
0x33: {  	v14 =	vor.u32 s7, v0;
	v13 =	vld [tilespmem:s6+$0xC8]  }
0x34: {  	[tilespmem:v16+s11+$0x0] =	vst.idx.msk $0xffff, v15  }
0x35: {  	v16 =	vor.u32 s10, v1;
	v15 =	vld [tilespmem:s6+$0xFFFFFF48]  }
0x36: {  	[tilespmem:v18+s11+$0x0] =	vst.idx.msk $0xffff, v17  }
0x37: {  	v18 =	vor.u32 s17, v1;
	[tilespmem:v20+s11+$0x0] =	vst.idx.msk $0xffff, v19;
	v17 =	vld [tilespmem:s6+$0x10]  }
0x38: {  	[tilespmem:v14+s11+$0x0] =	vst.idx.msk $0xffff, v13;
	v20 =	vor.u32 s4, v1;
	v19 =	vld [tilespmem:s6+$0xFFFFFE80]  }
0x39: {  	v14 =	vor.u32 s7, v1;
	v13 =	vld [tilespmem:s6+$0xD8]  }
0x3a: {  	[tilespmem:v16+s11+$0x0] =	vst.idx.msk $0xffff, v15  }
0x3b: {  	v16 =	vor.u32 s10, v2;
	v15 =	vld [tilespmem:s6+$0xFFFFFF58]  }
0x3c: {  	[tilespmem:v18+s11+$0x0] =	vst.idx.msk $0xffff, v17  }
0x3d: {  	v18 =	vor.u32 s17, v2;
	[tilespmem:v20+s11+$0x0] =	vst.idx.msk $0xffff, v19;
	v17 =	vld [tilespmem:s6+$0x20]  }
0x3e: {  	[tilespmem:v14+s11+$0x0] =	vst.idx.msk $0xffff, v13;
	v20 =	vor.u32 s4, v2;
	v19 =	vld [tilespmem:s6+$0xFFFFFE90]  }
0x3f: {  	v14 =	vor.u32 s7, v2;
	v13 =	vld [tilespmem:s6+$0xE8]  }
0x40: {  	[tilespmem:v16+s11+$0x0] =	vst.idx.msk $0xffff, v15  }
0x41: {  	v16 =	vor.u32 s10, v3;
	v15 =	vld [tilespmem:s6+$0xFFFFFF68]  }
0x42: {  	[tilespmem:v18+s11+$0x0] =	vst.idx.msk $0xffff, v17  }
0x43: {  	v18 =	vor.u32 s17, v3;
	[tilespmem:v20+s11+$0x0] =	vst.idx.msk $0xffff, v19;
	v17 =	vld [tilespmem:s6+$0x30]  }
0x44: {  	[tilespmem:v14+s11+$0x0] =	vst.idx.msk $0xffff, v13;
	v20 =	vor.u32 s4, v3;
	v19 =	vld [tilespmem:s6+$0xFFFFFEA0]  }
0x45: {  	v14 =	vor.u32 s7, v3;
	v13 =	vld [tilespmem:s6+$0xF8]  }
0x46: {  	[tilespmem:v16+s11+$0x0] =	vst.idx.msk $0xffff, v15  }
0x47: {  	v16 =	vor.u32 s10, v4;
	v15 =	vld [tilespmem:s6+$0xFFFFFF78]  }
0x48: {  	[tilespmem:v18+s11+$0x0] =	vst.idx.msk $0xffff, v17  }
0x49: {  	v18 =	vor.u32 s17, v4;
	[tilespmem:v20+s11+$0x0] =	vst.idx.msk $0xffff, v19;
	v17 =	vld [tilespmem:s6+$0x40]  }
0x4a: {  	[tilespmem:v14+s11+$0x0] =	vst.idx.msk $0xffff, v13;
	v20 =	vor.u32 s4, v4;
	v19 =	vld [tilespmem:s6+$0xFFFFFEB0]  }
0x4b: {  	v14 =	vor.u32 s7, v4;
	v13 =	vld [tilespmem:s6+$0x108]  }
0x4c: {  	[tilespmem:v16+s11+$0x0] =	vst.idx.msk $0xffff, v15  }
0x4d: {  	v16 =	vor.u32 s10, v5;
	v15 =	vld [tilespmem:s6+$0xFFFFFF88]  }
0x4e: {  	[tilespmem:v18+s11+$0x0] =	vst.idx.msk $0xffff, v17  }
0x4f: {  	v18 =	vor.u32 s17, v5;
	[tilespmem:v20+s11+$0x0] =	vst.idx.msk $0xffff, v19;
	v17 =	vld [tilespmem:s6+$0x50]  }
0x50: {  	[tilespmem:v14+s11+$0x0] =	vst.idx.msk $0xffff, v13;
	v20 =	vor.u32 s4, v5;
	v19 =	vld [tilespmem:s6+$0xFFFFFEC0]  }
0x51: {  	v14 =	vor.u32 s7, v5;
	v13 =	vld [tilespmem:s6+$0x118]  }
0x52: {  	[tilespmem:v16+s11+$0x0] =	vst.idx.msk $0xffff, v15  }
0x53: {  	v16 =	vor.u32 s10, v6;
	v15 =	vld [tilespmem:s6+$0xFFFFFF98]  }
0x54: {  	[tilespmem:v18+s11+$0x0] =	vst.idx.msk $0xffff, v17  }
0x55: {  	v18 =	vor.u32 s17, v6;
	[tilespmem:v20+s11+$0x0] =	vst.idx.msk $0xffff, v19;
	v17 =	vld [tilespmem:s6+$0x60]  }
0x56: {  	[tilespmem:v14+s11+$0x0] =	vst.idx.msk $0xffff, v13;
	v20 =	vor.u32 s4, v6;
	v19 =	vld [tilespmem:s6+$0xFFFFFED0]  }
0x57: {  	v14 =	vor.u32 s7, v6;
	v13 =	vld [tilespmem:s6+$0x128]  }
0x58: {  	[tilespmem:v16+s11+$0x0] =	vst.idx.msk $0xffff, v15  }
0x59: {  	v16 =	vor.u32 s10, v7;
	v15 =	vld [tilespmem:s6+$0xFFFFFFA8]  }
0x5a: {  	[tilespmem:v18+s11+$0x0] =	vst.idx.msk $0xffff, v17  }
0x5b: {  	v18 =	vor.u32 s17, v7;
	[tilespmem:v20+s11+$0x0] =	vst.idx.msk $0xffff, v19;
	v17 =	vld [tilespmem:s6+$0x70]  }
0x5c: {  	[tilespmem:v14+s11+$0x0] =	vst.idx.msk $0xffff, v13;
	v20 =	vor.u32 s4, v7;
	v19 =	vld [tilespmem:s6+$0xFFFFFEE0]  }
0x5d: {  	s3 =	simm.s32 $0x4B0;
	s16 =	simm.s32 $0x7;
	v14 =	vor.u32 s7, v7;
	v13 =	vld [tilespmem:s6+$0x138]  }
0x5e: {  	v22 =	vor.u32 s16, v0;
	v21 =	vld [tilespmem:s3+$0xC8];
	[tilespmem:v16+s11+$0x0] =	vst.idx.msk $0xffff, v15  }
0x5f: {  	s15 =	simm.s32 $0x5;
	v16 =	vor.u32 s10, v8;
	v15 =	vld [tilespmem:s6+$0xFFFFFFB8]  }
0x60: {  	v24 =	vor.u32 s15, v0;
	s0 =	simm.s32 $0x4;
	v23 =	vld [tilespmem:s3+$0xFFFFFF38];
	[tilespmem:v18+s11+$0x0] =	vst.idx.msk $0xffff, v17  }
0x61: {  	[tilespmem:v20+s11+$0x0] =	vst.idx.msk $0xffff, v19;
	v19 =	vld [tilespmem:s3+$0xFFFFFE70];
	v20 =	vor.u32 s0, v0  }
0x62: {  	[tilespmem:v14+s11+$0x0] =	vst.idx.msk $0xffff, v13;
	v18 =	vor.u32 s17, v8;
	v17 =	vld [tilespmem:s6+$0x80]  }
0x63: {  	s14 =	simm.s32 $0x6;
	[tilespmem:v22+s11+$0x0] =	vst.idx.msk $0xffff, v21;
	v14 =	vor.u32 s7, v8;
	v13 =	vld [tilespmem:s6+$0x148]  }
0x64: {  	[tilespmem:v16+s11+$0x0] =	vst.idx.msk $0xffff, v15;
	v15 =	vld [tilespmem:s3+$0x0];
	v16 =	vor.u32 s14, v0  }
0x65: {  	[tilespmem:v24+s11+$0x0] =	vst.idx.msk $0xffff, v23;
	v22 =	vor.u32 s16, v1;
	v21 =	vld [tilespmem:s3+$0xD8]  }
0x66: {  	v57 =	vor.u32 s15, v1;
	v23 =	vld [tilespmem:s3+$0xFFFFFF48];
	[tilespmem:v20+s11+$0x0] =	vst.idx.msk $0xffff, v19  }
0x67: {  	[tilespmem:v18+s11+$0x0] =	vst.idx.msk $0xffff, v17;
	v17 =	vld [tilespmem:s6+$0xFFFFFEF0];
	v18 =	vor.u32 s4, v8  }
0x68: {  	v20 =	vor.u32 s0, v1;
	[tilespmem:v14+s11+$0x0] =	vst.idx.msk $0xffff, v13;
	v19 =	vld [tilespmem:s3+$0xFFFFFE80]  }
0x69: {  	v14 =	vor.u32 s7, v9;
	v13 =	vld [tilespmem:s6+$0x158];
	[tilespmem:v16+s11+$0x0] =	vst.idx.msk $0xffff, v15  }
0x6a: {  	[tilespmem:v22+s11+$0x0] =	vst.idx.msk $0xffff, v21;
	v16 =	vor.u32 s14, v1;
	v15 =	vld [tilespmem:s3+$0x10]  }
0x6b: {  	[tilespmem:v57+s11+$0x0] =	vst.idx.msk $0xffff, v23;
	v22 =	vor.u32 s16, v2;
	v21 =	vld [tilespmem:s3+$0xE8]  }
0x6c: {  	v58 =	vor.u32 s15, v2;
	v23 =	vld [tilespmem:s3+$0xFFFFFF58];
	[tilespmem:v18+s11+$0x0] =	vst.idx.msk $0xffff, v17  }
0x6d: {  	v17 =	vld [tilespmem:s6+$0xFFFFFFC8];
	v18 =	vor.u32 s10, v9;
	[tilespmem:v20+s11+$0x0] =	vst.idx.msk $0xffff, v19  }
0x6e: {  	v20 =	vor.u32 s0, v2;
	[tilespmem:v14+s11+$0x0] =	vst.idx.msk $0xffff, v13;
	v19 =	vld [tilespmem:s3+$0xFFFFFE90]  }
0x6f: {  	v14 =	vor.u32 s7, v10;
	v13 =	vld [tilespmem:s6+$0x168];
	[tilespmem:v16+s11+$0x0] =	vst.idx.msk $0xffff, v15  }
0x70: {  	[tilespmem:v22+s11+$0x0] =	vst.idx.msk $0xffff, v21;
	v16 =	vor.u32 s14, v2;
	v15 =	vld [tilespmem:s3+$0x20]  }
0x71: {  	[tilespmem:v58+s11+$0x0] =	vst.idx.msk $0xffff, v23;
	v22 =	vor.u32 s16, v3;
	v21 =	vld [tilespmem:s3+$0xF8]  }
0x72: {  	v59 =	vor.u32 s15, v3;
	v23 =	vld [tilespmem:s3+$0xFFFFFF68];
	[tilespmem:v18+s11+$0x0] =	vst.idx.msk $0xffff, v17  }
0x73: {  	v17 =	vld [tilespmem:s6+$0x90];
	v18 =	vor.u32 s17, v9;
	[tilespmem:v20+s11+$0x0] =	vst.idx.msk $0xffff, v19  }
0x74: {  	v20 =	vor.u32 s0, v3;
	[tilespmem:v14+s11+$0x0] =	vst.idx.msk $0xffff, v13;
	v19 =	vld [tilespmem:s3+$0xFFFFFEA0]  }
0x75: {  	v14 =	vor.u32 s7, v11;
	v13 =	vld [tilespmem:s6+$0x178];
	[tilespmem:v16+s11+$0x0] =	vst.idx.msk $0xffff, v15  }
0x76: {  	[tilespmem:v22+s11+$0x0] =	vst.idx.msk $0xffff, v21;
	v16 =	vor.u32 s14, v3;
	v15 =	vld [tilespmem:s3+$0x30]  }
0x77: {  	[tilespmem:v59+s11+$0x0] =	vst.idx.msk $0xffff, v23;
	v22 =	vor.u32 s16, v4;
	v21 =	vld [tilespmem:s3+$0x108]  }
0x78: {  	v60 =	vor.u32 s15, v4;
	v23 =	vld [tilespmem:s3+$0xFFFFFF78];
	[tilespmem:v18+s11+$0x0] =	vst.idx.msk $0xffff, v17  }
0x79: {  	v17 =	vld [tilespmem:s6+$0xFFFFFF00];
	v18 =	vor.u32 s4, v9;
	[tilespmem:v20+s11+$0x0] =	vst.idx.msk $0xffff, v19  }
0x7a: {  	v20 =	vor.u32 s0, v4;
	[tilespmem:v14+s11+$0x0] =	vst.idx.msk $0xffff, v13;
	v19 =	vld [tilespmem:s3+$0xFFFFFEB0]  }
0x7b: {  	v14 =	vor.u32 s7, v12;
	v13 =	vld [tilespmem:s6+$0x180];
	[tilespmem:v16+s11+$0x0] =	vst.idx.msk $0xffff, v15  }
0x7c: {  	[tilespmem:v22+s11+$0x0] =	vst.idx.msk $0xffff, v21;
	v16 =	vor.u32 s14, v4;
	v15 =	vld [tilespmem:s3+$0x40]  }
0x7d: {  	[tilespmem:v60+s11+$0x0] =	vst.idx.msk $0xffff, v23;
	v22 =	vor.u32 s16, v5;
	v21 =	vld [tilespmem:s3+$0x118]  }
0x7e: {  	v61 =	vor.u32 s15, v5;
	v23 =	vld [tilespmem:s3+$0xFFFFFF88];
	[tilespmem:v18+s11+$0x0] =	vst.idx.msk $0xffff, v17  }
0x7f: {  	v17 =	vld [tilespmem:s6+$0xA0];
	v18 =	vor.u32 s17, v10;
	[tilespmem:v20+s11+$0x0] =	vst.idx.msk $0xffff, v19  }
0x80: {  	[tilespmem:v14+s11+$0x0] =	vst.idx.msk $0xffff, v13;
	v13 =	vld [tilespmem:s6+$0xFFFFFFD8];
	v14 =	vor.u32 s10, v10  }
0x81: {  	v20 =	vor.u32 s0, v5;
	v19 =	vld [tilespmem:s3+$0xFFFFFEC0];
	[tilespmem:v16+s11+$0x0] =	vst.idx.msk $0xffff, v15  }
0x82: {  	[tilespmem:v22+s11+$0x0] =	vst.idx.msk $0xffff, v21;
	v16 =	vor.u32 s14, v5;
	v15 =	vld [tilespmem:s3+$0x50]  }
0x83: {  	[tilespmem:v61+s11+$0x0] =	vst.idx.msk $0xffff, v23;
	v22 =	vor.u32 s16, v6;
	v21 =	vld [tilespmem:s3+$0x128]  }
0x84: {  	v62 =	vor.u32 s15, v6;
	v23 =	vld [tilespmem:s3+$0xFFFFFF98];
	[tilespmem:v18+s11+$0x0] =	vst.idx.msk $0xffff, v17  }
0x85: {  	[tilespmem:v14+s11+$0x0] =	vst.idx.msk $0xffff, v13;
	v13 =	vld [tilespmem:s6+$0xFFFFFF10];
	v14 =	vor.u32 s4, v10  }
0x86: {  	v18 =	vor.u32 s10, v11;
	[tilespmem:v20+s11+$0x0] =	vst.idx.msk $0xffff, v19;
	v17 =	vld [tilespmem:s6+$0xFFFFFFE8]  }
0x87: {  	v20 =	vor.u32 s0, v6;
	v19 =	vld [tilespmem:s3+$0xFFFFFED0];
	[tilespmem:v16+s11+$0x0] =	vst.idx.msk $0xffff, v15  }
0x88: {  	[tilespmem:v22+s11+$0x0] =	vst.idx.msk $0xffff, v21;
	v16 =	vor.u32 s14, v6;
	v15 =	vld [tilespmem:s3+$0x60]  }
0x89: {  	[tilespmem:v62+s11+$0x0] =	vst.idx.msk $0xffff, v23;
	v22 =	vor.u32 s16, v7;
	v21 =	vld [tilespmem:s3+$0x138]  }
0x8a: {  	[tilespmem:v14+s11+$0x0] =	vst.idx.msk $0xffff, v13;
	v13 =	vld [tilespmem:s6+$0xB0];
	v14 =	vor.u32 s17, v11  }
0x8b: {  	v63 =	vor.u32 s15, v7;
	v23 =	vld [tilespmem:s3+$0xFFFFFFA8];
	[tilespmem:v18+s11+$0x0] =	vst.idx.msk $0xffff, v17  }
0x8c: {  	v17 =	vld [tilespmem:s6+$0xFFFFFF20];
	v18 =	vor.u32 s4, v11;
	[tilespmem:v20+s11+$0x0] =	vst.idx.msk $0xffff, v19  }
0x8d: {  	v27 =	vor.u32 s0, v7;
	v26 =	vld [tilespmem:s3+$0xFFFFFEE0];
	[tilespmem:v16+s11+$0x0] =	vst.idx.msk $0xffff, v15  }
0x8e: {  	v25 =	vor.u32 s14, v7;
	[tilespmem:v22+s11+$0x0] =	vst.idx.msk $0xffff, v21;
	v16 =	vld [tilespmem:s3+$0x70]  }
0x8f: {  	[tilespmem:v14+s11+$0x0] =	vst.idx.msk $0xffff, v13;
	v13 =	vld [tilespmem:s6+$0xFFFFFFF0];
	v15 =	vor.u32 s10, v12  }
0x90: {  	[tilespmem:v63+s11+$0x0] =	vst.idx.msk $0xffff, v23;
	v21 =	vor.u32 s17, v12;
	v19 =	vld [tilespmem:s6+$0xB8]  }
0x91: {  	v22 =	vor.u32 s16, v8;
	v20 =	vld [tilespmem:s3+$0x148];
	[tilespmem:v18+s11+$0x0] =	vst.idx.msk $0xffff, v17  }
0x92: {  	v14 =	vld [tilespmem:s3+$0xFFFFFFB8];
	v18 =	vor.u32 s15, v8;
	[tilespmem:v27+s11+$0x0] =	vst.idx.msk $0xffff, v26  }
0x93: {  	s17 =	simm.s32 $0x8;
	v17 =	vor.u32 s4, v12;
	[tilespmem:v25+s11+$0x0] =	vst.idx.msk $0xffff, v16;
	v16 =	vld [tilespmem:s6+$0xFFFFFF28]  }
0x94: {  	s4 =	simm.s32 $0x7D0;
	s10 =	simm.s32 $0xC;
	[tilespmem:v15+s11+$0x0] =	vst.idx.msk $0xffff, v13;
	v15 =	vor.u32 s14, v8;
	s6 =	simm.s32 $0xB;
	v13 =	vld [tilespmem:s3+$0x80]  }
.LBB2_3:
0x95: {  	p0 =	slt.u32 s10, $0x7C;
	s13 =	sadd.s32 $0x1, s17;
	v23 =	vld [tilespmem:s4+$0xC8];
	v24 =	vor.u32 s6, v0;
	[tilespmem:v21+s11+$0x0] =	vst.idx.msk $0xffff, v19  }
0x96: {  	v19 =	vld [tilespmem:s4+$0xFFFFFF38];
	v21 =	vor.u32 s13, v0;
	[tilespmem:v22+s11+$0x0] =	vst.idx.msk $0xffff, v20  }
0x97: {  	s7 =	sadd.s32 $0x2, s17;
	[tilespmem:v18+s11+$0x0] =	vst.idx.msk $0xffff, v14;
	v14 =	vld [tilespmem:s3+$0x158];
	v18 =	vor.u32 s16, v9  }
0x98: {  	v22 =	vor.u32 s7, v0;
	v20 =	vld [tilespmem:s4+$0x0];
	[tilespmem:v17+s11+$0x0] =	vst.idx.msk $0xffff, v16  }
0x99: {  	v17 =	vor.u32 s17, v0;
	v16 =	vld [tilespmem:s4+$0xFFFFFE70];
	[tilespmem:v15+s11+$0x0] =	vst.idx.msk $0xffff, v13  }
0x9a: {  	v15 =	vor.u32 s0, v8;
	[tilespmem:v24+s11+$0x0] =	vst.idx.msk $0xffff, v23;
	v13 =	vld [tilespmem:s3+$0xFFFFFEF0]  }
0x9b: {  	[tilespmem:v21+s11+$0x0] =	vst.idx.msk $0xffff, v19;
	v19 =	vld [tilespmem:s4+$0xD8];
	v21 =	vor.u32 s6, v1  }
0x9c: {  	v24 =	vor.u32 s13, v1;
	v23 =	vld [tilespmem:s4+$0xFFFFFF48];
	[tilespmem:v18+s11+$0x0] =	vst.idx.msk $0xffff, v14  }
0x9d: {  	v18 =	vor.u32 s16, v10;
	[tilespmem:v22+s11+$0x0] =	vst.idx.msk $0xffff, v20;
	v14 =	vld [tilespmem:s3+$0x168]  }
0x9e: {  	[tilespmem:v17+s11+$0x0] =	vst.idx.msk $0xffff, v16;
	v16 =	vld [tilespmem:s4+$0x10];
	v17 =	vor.u32 s7, v1  }
0x9f: {  	v22 =	vor.u32 s17, v1;
	v20 =	vld [tilespmem:s4+$0xFFFFFE80];
	[tilespmem:v15+s11+$0x0] =	vst.idx.msk $0xffff, v13  }
0xa0: {  	v15 =	vor.u32 s15, v9;
	[tilespmem:v21+s11+$0x0] =	vst.idx.msk $0xffff, v19;
	v13 =	vld [tilespmem:s3+$0xFFFFFFC8]  }
0xa1: {  	v21 =	vor.u32 s6, v2;
	[tilespmem:v24+s11+$0x0] =	vst.idx.msk $0xffff, v23;
	v19 =	vld [tilespmem:s4+$0xE8]  }
0xa2: {  	v24 =	vor.u32 s13, v2;
	v23 =	vld [tilespmem:s4+$0xFFFFFF58];
	[tilespmem:v18+s11+$0x0] =	vst.idx.msk $0xffff, v14  }
0xa3: {  	[tilespmem:v17+s11+$0x0] =	vst.idx.msk $0xffff, v16;
	v14 =	vld [tilespmem:s3+$0x178];
	v16 =	vor.u32 s16, v11  }
0xa4: {  	v18 =	vor.u32 s7, v2;
	[tilespmem:v22+s11+$0x0] =	vst.idx.msk $0xffff, v20;
	v17 =	vld [tilespmem:s4+$0x20]  }
0xa5: {  	v22 =	vor.u32 s17, v2;
	v20 =	vld [tilespmem:s4+$0xFFFFFE90];
	[tilespmem:v15+s11+$0x0] =	vst.idx.msk $0xffff, v13  }
0xa6: {  	v15 =	vor.u32 s14, v9;
	[tilespmem:v21+s11+$0x0] =	vst.idx.msk $0xffff, v19;
	v13 =	vld [tilespmem:s3+$0x90]  }
0xa7: {  	v21 =	vor.u32 s6, v3;
	[tilespmem:v24+s11+$0x0] =	vst.idx.msk $0xffff, v23;
	v19 =	vld [tilespmem:s4+$0xF8]  }
0xa8: {  	v24 =	vor.u32 s13, v3;
	v23 =	vld [tilespmem:s4+$0xFFFFFF68];
	[tilespmem:v16+s11+$0x0] =	vst.idx.msk $0xffff, v14  }
0xa9: {  	v16 =	vor.u32 s16, v12;
	s16 =	smov.u32 s6;
	[tilespmem:v18+s11+$0x0] =	vst.idx.msk $0xffff, v17;
	v14 =	vld [tilespmem:s3+$0x180]  }
0xaa: {  	v18 =	vor.u32 s7, v3;
	[tilespmem:v22+s11+$0x0] =	vst.idx.msk $0xffff, v20;
	v17 =	vld [tilespmem:s4+$0x30]  }
0xab: {  	v22 =	vor.u32 s17, v3;
	v20 =	vld [tilespmem:s4+$0xFFFFFEA0];
	[tilespmem:v15+s11+$0x0] =	vst.idx.msk $0xffff, v13  }
0xac: {  	v15 =	vor.u32 s0, v9;
	[tilespmem:v21+s11+$0x0] =	vst.idx.msk $0xffff, v19;
	v13 =	vld [tilespmem:s3+$0xFFFFFF00]  }
0xad: {  	v21 =	vor.u32 s16, v4;
	[tilespmem:v24+s11+$0x0] =	vst.idx.msk $0xffff, v23;
	v19 =	vld [tilespmem:s4+$0x108]  }
0xae: {  	v24 =	vor.u32 s13, v4;
	v23 =	vld [tilespmem:s4+$0xFFFFFF78];
	[tilespmem:v16+s11+$0x0] =	vst.idx.msk $0xffff, v14  }
0xaf: {  	v16 =	vor.u32 s15, v10;
	[tilespmem:v18+s11+$0x0] =	vst.idx.msk $0xffff, v17;
	v14 =	vld [tilespmem:s3+$0xFFFFFFD8]  }
0xb0: {  	v18 =	vor.u32 s7, v4;
	[tilespmem:v22+s11+$0x0] =	vst.idx.msk $0xffff, v20;
	v17 =	vld [tilespmem:s4+$0x40]  }
0xb1: {  	v22 =	vor.u32 s17, v4;
	v20 =	vld [tilespmem:s4+$0xFFFFFEB0];
	[tilespmem:v15+s11+$0x0] =	vst.idx.msk $0xffff, v13  }
0xb2: {  	v15 =	vor.u32 s14, v10;
	[tilespmem:v21+s11+$0x0] =	vst.idx.msk $0xffff, v19;
	v13 =	vld [tilespmem:s3+$0xA0]  }
0xb3: {  	v21 =	vor.u32 s16, v5;
	[tilespmem:v24+s11+$0x0] =	vst.idx.msk $0xffff, v23;
	v19 =	vld [tilespmem:s4+$0x118]  }
0xb4: {  	v24 =	vor.u32 s13, v5;
	v23 =	vld [tilespmem:s4+$0xFFFFFF88];
	[tilespmem:v16+s11+$0x0] =	vst.idx.msk $0xffff, v14  }
0xb5: {  	v16 =	vor.u32 s0, v10;
	[tilespmem:v18+s11+$0x0] =	vst.idx.msk $0xffff, v17;
	v14 =	vld [tilespmem:s3+$0xFFFFFF10]  }
0xb6: {  	v18 =	vor.u32 s7, v5;
	[tilespmem:v22+s11+$0x0] =	vst.idx.msk $0xffff, v20;
	v17 =	vld [tilespmem:s4+$0x50]  }
0xb7: {  	v22 =	vor.u32 s17, v5;
	v20 =	vld [tilespmem:s4+$0xFFFFFEC0];
	[tilespmem:v15+s11+$0x0] =	vst.idx.msk $0xffff, v13  }
0xb8: {  	v15 =	vor.u32 s15, v11;
	[tilespmem:v21+s11+$0x0] =	vst.idx.msk $0xffff, v19;
	v13 =	vld [tilespmem:s3+$0xFFFFFFE8]  }
0xb9: {  	v21 =	vor.u32 s16, v6;
	[tilespmem:v24+s11+$0x0] =	vst.idx.msk $0xffff, v23;
	v19 =	vld [tilespmem:s4+$0x128]  }
0xba: {  	v24 =	vor.u32 s13, v6;
	v23 =	vld [tilespmem:s4+$0xFFFFFF98];
	[tilespmem:v16+s11+$0x0] =	vst.idx.msk $0xffff, v14  }
0xbb: {  	v16 =	vor.u32 s14, v11;
	[tilespmem:v18+s11+$0x0] =	vst.idx.msk $0xffff, v17;
	v14 =	vld [tilespmem:s3+$0xB0]  }
0xbc: {  	v18 =	vor.u32 s7, v6;
	[tilespmem:v22+s11+$0x0] =	vst.idx.msk $0xffff, v20;
	v17 =	vld [tilespmem:s4+$0x60]  }
0xbd: {  	v22 =	vor.u32 s17, v6;
	v20 =	vld [tilespmem:s4+$0xFFFFFED0];
	[tilespmem:v15+s11+$0x0] =	vst.idx.msk $0xffff, v13  }
0xbe: {  	v15 =	vor.u32 s0, v11;
	[tilespmem:v21+s11+$0x0] =	vst.idx.msk $0xffff, v19;
	v13 =	vld [tilespmem:s3+$0xFFFFFF20]  }
0xbf: {  	v21 =	vor.u32 s16, v7;
	[tilespmem:v24+s11+$0x0] =	vst.idx.msk $0xffff, v23;
	v19 =	vld [tilespmem:s4+$0x138]  }
0xc0: {  	v24 =	vor.u32 s13, v7;
	v23 =	vld [tilespmem:s4+$0xFFFFFFA8];
	[tilespmem:v16+s11+$0x0] =	vst.idx.msk $0xffff, v14  }
0xc1: {  	[tilespmem:v18+s11+$0x0] =	vst.idx.msk $0xffff, v17;
	v16 =	vld [tilespmem:s3+$0xFFFFFFF0];
	v17 =	vor.u32 s15, v12;
	s15 =	smov.u32 s13  }
0xc2: {  	v26 =	vor.u32 s7, v7;
	[tilespmem:v22+s11+$0x0] =	vst.idx.msk $0xffff, v20;
	v25 =	vld [tilespmem:s4+$0x70]  }
0xc3: {  	v28 =	vor.u32 s17, v7;
	v27 =	vld [tilespmem:s4+$0xFFFFFEE0];
	[tilespmem:v15+s11+$0x0] =	vst.idx.msk $0xffff, v13  }
.Ltmp4:
0xc4: {  	[tilespmem:v21+s11+$0x0] =	vst.idx.msk $0xffff, v19;
	v19 =	vld [tilespmem:s3+$0xB8];
	v21 =	vor.u32 s14, v12;
	s14 =	smov.u32 s7;
	(pc) =	sbr.rel @p0 .LBB2_3-.Ltmp4, $4  }
0xc5: {  	v22 =	vor.u32 s16, v8;
	[tilespmem:v24+s11+$0x0] =	vst.idx.msk $0xffff, v23;
	v20 =	vld [tilespmem:s4+$0x148]  }
0xc6: {  	v18 =	vor.u32 s15, v8;
	v14 =	vld [tilespmem:s4+$0xFFFFFFB8];
	[tilespmem:v17+s11+$0x0] =	vst.idx.msk $0xffff, v16  }
0xc7: {  	v17 =	vor.u32 s0, v12;
	s0 =	smov.u32 s17;
	s17 =	smov.u32 s10;
	[tilespmem:v26+s11+$0x0] =	vst.idx.msk $0xffff, v25;
	v16 =	vld [tilespmem:s3+$0xFFFFFF28];
	s3 =	smov.u32 s4  }
0xc8: {  	v15 =	vor.u32 s14, v8;
	s10 =	sadd.s32 $0x4, s10;
	s6 =	sadd.s32 $0x3, s17;
	s4 =	sadd.s32 $0x320, s4;
	[tilespmem:v28+s11+$0x0] =	vst.idx.msk $0xffff, v27;
	v13 =	vld [tilespmem:s3+$0x80]  }
0xc9: {  	v23 =	vld [tilespmem:s4+$0xC8];
	v24 =	vor.u32 s6, v0  }
0xca: {  	s10 =	sadd.s32 $0x1, s17;
	v29 =	vld [tilespmem:s4+$0xFFFFFE70];
	v30 =	vor.u32 s17, v0  }
0xcb: {  	v25 =	vld [tilespmem:s4+$0xFFFFFF38];
	s7 =	sadd.s32 $0x2, s17;
	v26 =	vor.u32 s10, v0  }
0xcc: {  	v27 =	vld [tilespmem:s4+$0x0];
	v28 =	vor.u32 s7, v0;
	_ =	sdelay $0x1  }
0xcd: {  	[tilespmem:v24+s11+$0x0] =	vst.idx.msk $0xffff, v23  }
0xce: {  	v57 =	vor.u32 s6, v1;
	[tilespmem:v30+s11+$0x0] =	vst.idx.msk $0xffff, v29;
	v23 =	vld [tilespmem:s4+$0xD8]  }
0xcf: {  	v60 =	vor.u32 s17, v1;
	[tilespmem:v26+s11+$0x0] =	vst.idx.msk $0xffff, v25;
	v29 =	vld [tilespmem:s4+$0xFFFFFE80]  }
0xd0: {  	v58 =	vor.u32 s10, v1;
	[tilespmem:v28+s11+$0x0] =	vst.idx.msk $0xffff, v27;
	v25 =	vld [tilespmem:s4+$0xFFFFFF48]  }
0xd1: {  	v59 =	vor.u32 s7, v1;
	v27 =	vld [tilespmem:s4+$0x10];
	_ =	sdelay $0x1  }
0xd2: {  	[tilespmem:v57+s11+$0x0] =	vst.idx.msk $0xffff, v23  }
0xd3: {  	v61 =	vor.u32 s6, v2;
	[tilespmem:v60+s11+$0x0] =	vst.idx.msk $0xffff, v29;
	v23 =	vld [tilespmem:s4+$0xE8]  }
0xd4: {  	v33 =	vor.u32 s17, v2;
	[tilespmem:v58+s11+$0x0] =	vst.idx.msk $0xffff, v25;
	v32 =	vld [tilespmem:s4+$0xFFFFFE90]  }
0xd5: {  	v62 =	vor.u32 s10, v2;
	[tilespmem:v59+s11+$0x0] =	vst.idx.msk $0xffff, v27;
	v25 =	vld [tilespmem:s4+$0xFFFFFF58]  }
0xd6: {  	[tilespmem:v21+s11+$0x0] =	vst.idx.msk $0xffff, v19;
	v63 =	vor.u32 s7, v2;
	v27 =	vld [tilespmem:s4+$0x20]  }
0xd7: {  	[tilespmem:v18+s11+$0x0] =	vst.idx.msk $0xffff, v14  }
0xd8: {  	[tilespmem:v61+s11+$0x0] =	vst.idx.msk $0xffff, v23  }
0xd9: {  	v35 =	vor.u32 s6, v3;
	[tilespmem:v33+s11+$0x0] =	vst.idx.msk $0xffff, v32;
	v34 =	vld [tilespmem:s4+$0xF8]  }
0xda: {  	v40 =	vor.u32 s17, v3;
	[tilespmem:v62+s11+$0x0] =	vst.idx.msk $0xffff, v25;
	v14 =	vld [tilespmem:s4+$0xFFFFFEA0]  }
0xdb: {  	v37 =	vor.u32 s10, v3;
	[tilespmem:v63+s11+$0x0] =	vst.idx.msk $0xffff, v27;
	v36 =	vld [tilespmem:s4+$0xFFFFFF68]  }
0xdc: {  	[tilespmem:v22+s11+$0x0] =	vst.idx.msk $0xffff, v20;
	v39 =	vor.u32 s7, v3;
	v38 =	vld [tilespmem:s4+$0x30]  }
0xdd: {  	[tilespmem:v15+s11+$0x0] =	vst.idx.msk $0xffff, v13  }
0xde: {  	v46 =	vld [tilespmem:s3+$0xFFFFFEF0];
	v47 =	vor.u32 s0, v8;
	[tilespmem:v35+s11+$0x0] =	vst.idx.msk $0xffff, v34  }
0xdf: {  	v43 =	vor.u32 s6, v4;
	[tilespmem:v40+s11+$0x0] =	vst.idx.msk $0xffff, v14;
	v20 =	vld [tilespmem:s4+$0x108]  }
0xe0: {  	v15 =	vor.u32 s17, v4;
	[tilespmem:v37+s11+$0x0] =	vst.idx.msk $0xffff, v36;
	v13 =	vld [tilespmem:s4+$0xFFFFFEB0]  }
0xe1: {  	v44 =	vor.u32 s10, v4;
	[tilespmem:v39+s11+$0x0] =	vst.idx.msk $0xffff, v38;
	v23 =	vld [tilespmem:s4+$0xFFFFFF78]  }
0xe2: {  	v45 =	vor.u32 s7, v4;
	[tilespmem:v17+s11+$0x0] =	vst.idx.msk $0xffff, v16;
	v14 =	vld [tilespmem:s4+$0x40]  }
0xe3: {  	v42 =	vor.u32 s16, v9;
	v41 =	vld [tilespmem:s3+$0x158];
	[tilespmem:v47+s11+$0x0] =	vst.idx.msk $0xffff, v46  }
0xe4: {  	v53 =	vor.u32 s15, v9;
	v52 =	vld [tilespmem:s3+$0xFFFFFFC8];
	[tilespmem:v43+s11+$0x0] =	vst.idx.msk $0xffff, v20  }
0xe5: {  	v49 =	vor.u32 s6, v5;
	[tilespmem:v15+s11+$0x0] =	vst.idx.msk $0xffff, v13;
	v20 =	vld [tilespmem:s4+$0x118]  }
0xe6: {  	v51 =	vor.u32 s17, v5;
	[tilespmem:v44+s11+$0x0] =	vst.idx.msk $0xffff, v23;
	v15 =	vld [tilespmem:s4+$0xFFFFFEC0]  }
0xe7: {  	v50 =	vor.u32 s10, v5;
	[tilespmem:v45+s11+$0x0] =	vst.idx.msk $0xffff, v14;
	v23 =	vld [tilespmem:s4+$0xFFFFFF88]  }
0xe8: {  	[tilespmem:v42+s11+$0x0] =	vst.idx.msk $0xffff, v41;
	v14 =	vor.u32 s7, v5;
	v13 =	vld [tilespmem:s4+$0x50]  }
0xe9: {  	v48 =	vor.u32 s16, v10;
	v16 =	vld [tilespmem:s3+$0x168];
	[tilespmem:v53+s11+$0x0] =	vst.idx.msk $0xffff, v52  }
0xea: {  	v31 =	vor.u32 s15, v10;
	v30 =	vld [tilespmem:s3+$0xFFFFFFD8];
	[tilespmem:v49+s11+$0x0] =	vst.idx.msk $0xffff, v20  }
0xeb: {  	v55 =	vor.u32 s6, v6;
	[tilespmem:v51+s11+$0x0] =	vst.idx.msk $0xffff, v15;
	v20 =	vld [tilespmem:s4+$0x128]  }
0xec: {  	v57 =	vor.u32 s17, v6;
	[tilespmem:v50+s11+$0x0] =	vst.idx.msk $0xffff, v23;
	v15 =	vld [tilespmem:s4+$0xFFFFFED0]  }
0xed: {  	v56 =	vor.u32 s10, v6;
	[tilespmem:v14+s11+$0x0] =	vst.idx.msk $0xffff, v13;
	v23 =	vld [tilespmem:s4+$0xFFFFFF98]  }
0xee: {  	[tilespmem:v48+s11+$0x0] =	vst.idx.msk $0xffff, v16;
	v14 =	vor.u32 s7, v6;
	v13 =	vld [tilespmem:s4+$0x60]  }
0xef: {  	v28 =	vld [tilespmem:s3+$0xFFFFFF00];
	v29 =	vor.u32 s0, v9;
	[tilespmem:v31+s11+$0x0] =	vst.idx.msk $0xffff, v30  }
0xf0: {  	v54 =	vor.u32 s16, v11;
	v16 =	vld [tilespmem:s3+$0x178];
	[tilespmem:v55+s11+$0x0] =	vst.idx.msk $0xffff, v20  }
0xf1: {  	v61 =	vor.u32 s6, v7;
	[tilespmem:v57+s11+$0x0] =	vst.idx.msk $0xffff, v15;
	v20 =	vld [tilespmem:s4+$0x138]  }
0xf2: {  	v63 =	vor.u32 s17, v7;
	[tilespmem:v56+s11+$0x0] =	vst.idx.msk $0xffff, v23;
	v15 =	vld [tilespmem:s4+$0xFFFFFEE0]  }
0xf3: {  	v62 =	vor.u32 s10, v7;
	[tilespmem:v14+s11+$0x0] =	vst.idx.msk $0xffff, v13;
	v23 =	vld [tilespmem:s4+$0xFFFFFFA8]  }
0xf4: {  	[tilespmem:v29+s11+$0x0] =	vst.idx.msk $0xffff, v28;
	v14 =	vor.u32 s7, v7;
	v13 =	vld [tilespmem:s4+$0x70]  }
0xf5: {  	v58 =	vld [tilespmem:s3+$0x90];
	v59 =	vor.u32 s14, v9;
	[tilespmem:v54+s11+$0x0] =	vst.idx.msk $0xffff, v16  }
0xf6: {  	v60 =	vor.u32 s16, v12;
	v16 =	vld [tilespmem:s3+$0x180];
	[tilespmem:v61+s11+$0x0] =	vst.idx.msk $0xffff, v20  }
0xf7: {  	v32 =	vor.u32 s6, v8;
	[tilespmem:v63+s11+$0x0] =	vst.idx.msk $0xffff, v15;
	v20 =	vld [tilespmem:s4+$0x148]  }
0xf8: {  	v34 =	vor.u32 s17, v8;
	[tilespmem:v62+s11+$0x0] =	vst.idx.msk $0xffff, v23;
	v15 =	vld [tilespmem:s4+$0xFFFFFEF0]  }
0xf9: {  	v33 =	vor.u32 s10, v8;
	[tilespmem:v14+s11+$0x0] =	vst.idx.msk $0xffff, v13;
	v23 =	vld [tilespmem:s4+$0xFFFFFFB8]  }
0xfa: {  	[tilespmem:v59+s11+$0x0] =	vst.idx.msk $0xffff, v58;
	v14 =	vor.u32 s7, v8;
	v13 =	vld [tilespmem:s4+$0x80]  }
0xfb: {  	v35 =	vld [tilespmem:s3+$0xA0];
	v36 =	vor.u32 s14, v10;
	[tilespmem:v60+s11+$0x0] =	vst.idx.msk $0xffff, v16  }
0xfc: {  	v37 =	vld [tilespmem:s3+$0xFFFFFF10];
	v38 =	vor.u32 s0, v10;
	[tilespmem:v32+s11+$0x0] =	vst.idx.msk $0xffff, v20  }
0xfd: {  	v39 =	vor.u32 s6, v9;
	[tilespmem:v34+s11+$0x0] =	vst.idx.msk $0xffff, v15;
	v20 =	vld [tilespmem:s4+$0x158]  }
0xfe: {  	v42 =	vor.u32 s17, v9;
	[tilespmem:v33+s11+$0x0] =	vst.idx.msk $0xffff, v23;
	v41 =	vld [tilespmem:s4+$0xFFFFFF00]  }
0xff: {  	[tilespmem:v14+s11+$0x0] =	vst.idx.msk $0xffff, v13;
	v14 =	vor.u32 s10, v9;
	v13 =	vld [tilespmem:s4+$0xFFFFFFC8]  }
0x100: {  	v40 =	vor.u32 s7, v9;
	[tilespmem:v36+s11+$0x0] =	vst.idx.msk $0xffff, v35;
	v15 =	vld [tilespmem:s4+$0x90]  }
0x101: {  	v43 =	vld [tilespmem:s3+$0xFFFFFFE8];
	[tilespmem:v38+s11+$0x0] =	vst.idx.msk $0xffff, v37;
	v44 =	vor.u32 s15, v11  }
0x102: {  	v46 =	vor.u32 s14, v11;
	v45 =	vld [tilespmem:s3+$0xB0];
	[tilespmem:v39+s11+$0x0] =	vst.idx.msk $0xffff, v20  }
0x103: {  	v47 =	vor.u32 s6, v10;
	[tilespmem:v42+s11+$0x0] =	vst.idx.msk $0xffff, v41;
	v20 =	vld [tilespmem:s4+$0x168]  }
0x104: {  	v49 =	vor.u32 s17, v10;
	[tilespmem:v14+s11+$0x0] =	vst.idx.msk $0xffff, v13;
	v19 =	vld [tilespmem:s4+$0xFFFFFF10]  }
0x105: {  	[tilespmem:v40+s11+$0x0] =	vst.idx.msk $0xffff, v15;
	v14 =	vor.u32 s10, v10;
	v13 =	vld [tilespmem:s4+$0xFFFFFFD8]  }
0x106: {  	v48 =	vor.u32 s7, v10;
	[tilespmem:v44+s11+$0x0] =	vst.idx.msk $0xffff, v43;
	v15 =	vld [tilespmem:s4+$0xA0]  }
0x107: {  	v51 =	vor.u32 s0, v11;
	[tilespmem:v46+s11+$0x0] =	vst.idx.msk $0xffff, v45;
	v50 =	vld [tilespmem:s3+$0xFFFFFF20]  }
0x108: {  	v53 =	vor.u32 s15, v12;
	v52 =	vld [tilespmem:s3+$0xFFFFFFF0];
	[tilespmem:v47+s11+$0x0] =	vst.idx.msk $0xffff, v20  }
0x109: {  	v54 =	vor.u32 s6, v11;
	[tilespmem:v49+s11+$0x0] =	vst.idx.msk $0xffff, v19;
	v20 =	vld [tilespmem:s4+$0x178]  }
0x10a: {  	v56 =	vor.u32 s17, v11;
	[tilespmem:v14+s11+$0x0] =	vst.idx.msk $0xffff, v13;
	v19 =	vld [tilespmem:s4+$0xFFFFFF20]  }
0x10b: {  	[tilespmem:v48+s11+$0x0] =	vst.idx.msk $0xffff, v15;
	v14 =	vor.u32 s10, v11;
	v13 =	vld [tilespmem:s4+$0xFFFFFFE8]  }
0x10c: {  	v55 =	vor.u32 s7, v11;
	[tilespmem:v51+s11+$0x0] =	vst.idx.msk $0xffff, v50;
	v15 =	vld [tilespmem:s4+$0xB0]  }
0x10d: {  	v58 =	vor.u32 s14, v12;
	v57 =	vld [tilespmem:s3+$0xB8];
	[tilespmem:v53+s11+$0x0] =	vst.idx.msk $0xffff, v52  }
0x10e: {  	v60 =	vor.u32 s0, v12;
	v59 =	vld [tilespmem:s3+$0xFFFFFF28];
	[tilespmem:v54+s11+$0x0] =	vst.idx.msk $0xffff, v20  }
0x10f: {  	v61 =	vor.u32 s6, v12;
	[tilespmem:v56+s11+$0x0] =	vst.idx.msk $0xffff, v19;
	v20 =	vld [tilespmem:s4+$0x180]  }
0x110: {  	v63 =	vor.u32 s17, v12;
	[tilespmem:v14+s11+$0x0] =	vst.idx.msk $0xffff, v13;
	v19 =	vld [tilespmem:s4+$0xFFFFFF28]  }
0x111: {  	[tilespmem:v55+s11+$0x0] =	vst.idx.msk $0xffff, v15;
	v14 =	vor.u32 s10, v12;
	v13 =	vld [tilespmem:s4+$0xFFFFFFF0]  }
0x112: {  	[tilespmem:v58+s11+$0x0] =	vst.idx.msk $0xffff, v57;
	v62 =	vor.u32 s7, v12;
	v15 =	vld [tilespmem:s4+$0xB8]  }
0x113: {  	[tilespmem:v60+s11+$0x0] =	vst.idx.msk $0xffff, v59  }
0x114: {  	[tilespmem:v61+s11+$0x0] =	vst.idx.msk $0xffff, v20  }
0x115: {  	[tilespmem:v63+s11+$0x0] =	vst.idx.msk $0xffff, v19  }
0x116: {  	[tilespmem:v14+s11+$0x0] =	vst.idx.msk $0xffff, v13  }
0x117: {  	s15 =	simm.s32 $0xC800;
	[tilespmem:v62+s11+$0x0] =	vst.idx.msk $0xffff, v15  }
0x118: {  	[tilespmem:s15], [sflag:$0x1] =	stream.indirect.gather [hbm4b:s5+s12], $0x20, s11, s12, $0xb8;
	[tilespmem:$0x12800] =	vst v63  }
.Ltmp5:
0x119: {  	s13 =	simm.s32 $0x6480;
	(pc) =	sbr.rel .LBB2_5-.Ltmp5, $4  }
0x11a: {  	s16 =	simm.s32 $0x6500;
	s14 =	simm.s32 $0xD800;
	s0 =	simm.s32 $0x6700  }
0x11b: {  	[tilespmem:s14], [sflag:$0x2] =	stream.indirect.gather [hbm4b:s5+s12], $0x20, s13, s12, $0xb8;
	[tilespmem:$0x12800] =	vst v63  }
0x11c: {  	s3 =	simm.s32 $0x0;
	s17 =	simm.s32 $0xE800;
	s4 =	simm.s32 $0x3  }
0x11d: {  	[tilespmem:s17], [sflag:$0x3] =	stream.indirect.gather [hbm4b:s5+s12], $0x20, s16, s12, $0xb8;
	[tilespmem:$0x12800] =	vst v63  }
.LBB2_6:
0x11e: {  	_ =	swait.ge [sflag:s23], $0x1000  }
0x11f: {  	[sflag:s23] =	ssyncset.done $0x0  }
0x120: {  	[sflag:s23] =	ssyncadd.s32 $0xFFFFF000  }
.LBB2_8:
0x121: {  	_ =	swait.ge [sflag:s24], $0x1000  }
0x122: {  	[sflag:s24] =	ssyncset.done $0x0  }
0x123: {  	[sflag:s24] =	ssyncadd.s32 $0xFFFFF000  }
.LBB2_9:
0x124: {  	s10 =	sadd.s32 $0x10000, s7;
	s14 =	sor.u32 $0x14000, s6  }
0x125: {  	[hbm4b:s10+s2] =	stream.linear.scatter [tilespmem:s25], [sflag:$0x6], $0x400, $0x38;
	[tilespmem:$0x12800] =	vst v63  }
0x126: {  	s16 =	sor.u32 $0x18000, s6;
	s10 =	sadd.s32 s1, s14  }
0x127: {  	[hbm4b:s10+s2] =	stream.linear.scatter [tilespmem:s26], [sflag:$0x6], $0x400, $0x38;
	[tilespmem:$0x12800] =	vst v63  }
0x128: {  	s17 =	sor.u32 $0x1C000, s6;
	s10 =	sadd.s32 s1, s16  }
0x129: {  	[hbm4b:s10+s2] =	stream.linear.scatter [tilespmem:s28], [sflag:$0x6], $0x400, $0x38;
	[tilespmem:$0x12800] =	vst v63  }
0x12a: {  	p1 =	seq.s32 s3, $0xC40000;
	s10 =	sadd.s32 s1, s17  }
0x12b: {  	[hbm4b:s10+s2] =	stream.linear.scatter [tilespmem:s29], [sflag:$0x6], $0x400, $0x38;
	[tilespmem:$0x12800] =	vst v63  }
0x12c: {  	s13 =	simm.s32 @!p1 $0x80;
	s14 =	simm.s32 @!p1 $0xD800;
	s10 =	sadd.s32 @!p1 $0xFFFFFF80, s0  }
0x12d: {  	[tilespmem:s14], [sflag:$0x2] =	stream.indirect.gather @!p1 [hbm4b:s5+s13], $0x20, s10, s13, $0xb8;
	[tilespmem:$0x12800] =	vst v63  }
0x12e: {  	_ =	swait.ge [sflag:s30], $0x1000  }
0x12f: {  	[sflag:s30] =	ssyncset.done $0x0  }
0x130: {  	[sflag:s30] =	ssyncadd.s32 $0xFFFFF000  }
0x131: {  	_ =	swait.ge [sflag:s31], $0x1000  }
0x132: {  	s13 =	sadd.s32 $0x20000, s6;
	[sflag:s31] =	ssyncset.done $0x0  }
0x133: {  	s14 =	sadd.s32 $0x20000, s7;
	s16 =	sor.u32 $0x4000, s13;
	[sflag:s31] =	ssyncadd.s32 $0xFFFFF000  }
0x134: {  	[hbm4b:s14+s2] =	stream.linear.scatter [tilespmem:s19], [sflag:$0x5], $0x400, $0x38;
	[tilespmem:$0x12800] =	vst v63  }
0x135: {  	s17 =	sor.u32 $0x8000, s13;
	s7 =	sadd.s32 s1, s16  }
0x136: {  	[hbm4b:s7+s2] =	stream.linear.scatter [tilespmem:s20], [sflag:$0x5], $0x400, $0x38;
	[tilespmem:$0x12800] =	vst v63  }
0x137: {  	s6 =	sor.u32 $0xC000, s13;
	s7 =	sadd.s32 s1, s17  }
0x138: {  	[hbm4b:s7+s2] =	stream.linear.scatter [tilespmem:s21], [sflag:$0x5], $0x400, $0x38;
	[tilespmem:$0x12800] =	vst v63  }
0x139: {  	s6 =	sadd.s32 s1, s6  }
0x13a: {  	[hbm4b:s6+s2] =	stream.linear.scatter [tilespmem:s22], [sflag:$0x5], $0x400, $0x38;
	[tilespmem:$0x12800] =	vst v63  }
0x13b: {  	s7 =	simm.s32 @!p0 $0xE800;
	s6 =	simm.s32 @!p0 $0x80  }
0x13c: {  	[tilespmem:s7], [sflag:$0x3] =	stream.indirect.gather @!p0 [hbm4b:s5+s6], $0x20, s0, s6, $0xb8;
	[tilespmem:$0x12800] =	vst v63  }
0x13d: {  	s6 =	simm.s32 @!p0 $0x4  }
0x13e: {  	_ =	swait.ge @!p0 [sflag:s6], $0x1000  }
0x13f: {  	[sflag:s6] =	ssyncset.done @!p0 $0x0  }
0x140: {  	[sflag:s6] =	ssyncadd.s32 @!p0 $0xFFFFF000;
	s6 =	simm.s32 @!p0 $0x6  }
0x141: {  	_ =	swait.ge @!p0 [sflag:s6], $0x1000  }
0x142: {  	s7 =	sadd.s32 @!p0 s3, s9;
	[sflag:s6] =	ssyncset.done @!p0 $0x0  }
0x143: {  	[sflag:s6] =	ssyncadd.s32 @!p0 $0xFFFFF000;
	s6 =	sadd.s32 @!p0 $0x30000, s7;
	s7 =	sadd.s32 @!p0 s3, s8  }
0x144: {  	s10 =	simm.s32 @!p0 $0x0;
	s13 =	simm.s32 @!p0 $0x11800;
	s7 =	sadd.s32 @!p0 $0x30000, s7  }
0x145: {  	[hbm4b:s7+s10] =	stream.linear.scatter @!p0 [tilespmem:s13], [sflag:$0x6], $0x400, $0x38;
	[tilespmem:$0x12800] =	vst v63  }
0x146: {  	s7 =	sor.u32 @!p0 $0x4000, s6  }
0x147: {  	s13 =	simm.s32 @!p0 $0x11C00;
	s7 =	sadd.s32 @!p0 s1, s7  }
0x148: {  	[hbm4b:s7+s10] =	stream.linear.scatter @!p0 [tilespmem:s13], [sflag:$0x6], $0x400, $0x38;
	[tilespmem:$0x12800] =	vst v63  }
0x149: {  	s7 =	sor.u32 @!p0 $0x8000, s6  }
0x14a: {  	s13 =	simm.s32 @!p0 $0x12000;
	s6 =	sor.u32 @!p0 $0xC000, s6;
	s7 =	sadd.s32 @!p0 s1, s7  }
0x14b: {  	[hbm4b:s7+s10] =	stream.linear.scatter @!p0 [tilespmem:s13], [sflag:$0x6], $0x400, $0x38;
	[tilespmem:$0x12800] =	vst v63  }
0x14c: {  	s3 =	sadd.s32 $0x40000, s3;
	s6 =	sadd.s32 @!p0 s1, s6;
	s7 =	simm.s32 @!p0 $0x12400  }
0x14d: {  	[hbm4b:s6+s10] =	stream.linear.scatter @!p0 [tilespmem:s7], [sflag:$0x6], $0x400, $0x38;
	[tilespmem:$0x12800] =	vst v63  }
0x14e: {  	p0 =	sne.s32 s3, $0xC80000  }
.Ltmp6:
0x14f: {  	_ = 	snop;
	(pc) =	sbr.rel @!p0 .LBB2_10-.Ltmp6, $2  }
0x150: {  	_ =	sdelay $0x2  }
0x151: {  	s4 =	sadd.s32 $0x4, s4;
	s0 =	sadd.s32 $0x200, s0  }
.LBB2_5:
0x152: {  	p0 =	sgt.u32 s4, $0xC6  }
0x153: {  	s6 =	sadd.s32 @!p0 $0xFFFFFE80, s0;
	s7 =	simm.s32 @!p0 $0x80;
	s10 =	simm.s32 @!p0 $0xF800  }
0x154: {  	[tilespmem:s10], [sflag:$0x4] =	stream.indirect.gather @!p0 [hbm4b:s5+s7], $0x20, s6, s7, $0xb8;
	[tilespmem:$0x12800] =	vst v63  }
0x155: {  	_ =	swait.ge [sflag:s18], $0x1000  }
0x156: {  	p1 =	seq.s32 s3, $0x0;
	[sflag:s18] =	ssyncset.done $0x0  }
0x157: {  	s6 =	simm.s32 @!p1 $0x5;
	[sflag:s18] =	ssyncadd.s32 $0xFFFFF000  }
0x158: {  	_ =	swait.ge @!p1 [sflag:s6], $0x1000  }
0x159: {  	[sflag:s6] =	ssyncset.done @!p1 $0x0  }
0x15a: {  	s7 =	sadd.s32 s3, s8;
	[sflag:s6] =	ssyncadd.s32 @!p1 $0xFFFFF000;
	s6 =	sadd.s32 s3, s9  }
0x15b: {  	[hbm4b:s7+s2] =	stream.linear.scatter [tilespmem:s19], [sflag:$0x5], $0x400, $0x38;
	[tilespmem:$0x12800] =	vst v63  }
0x15c: {  	s14 =	sor.u32 $0x4000, s6  }
0x15d: {  	p2 =	sne.s32 s3, $0xC40000;
	s10 =	sadd.s32 s1, s14  }
0x15e: {  	[hbm4b:s10+s2] =	stream.linear.scatter [tilespmem:s20], [sflag:$0x5], $0x400, $0x38;
	[tilespmem:$0x12800] =	vst v63  }
.Ltmp7:
0x15f: {  	s16 =	sor.u32 $0x8000, s6;
	(pc) =	sbr.rel @!p2 .LBB2_6-.Ltmp7, $4  }
0x160: {  	s17 =	sor.u32 $0xC000, s6;
	s10 =	sadd.s32 s1, s16  }
0x161: {  	[hbm4b:s10+s2] =	stream.linear.scatter [tilespmem:s21], [sflag:$0x5], $0x400, $0x38;
	[tilespmem:$0x12800] =	vst v63  }
0x162: {  	s10 =	sadd.s32 s1, s17  }
0x163: {  	[hbm4b:s10+s2] =	stream.linear.scatter [tilespmem:s22], [sflag:$0x5], $0x400, $0x38;
	[tilespmem:$0x12800] =	vst v63  }
0x164: {  	s10 =	sadd.s32 $0xFFFFFF00, s0  }
0x165: {  	[tilespmem:s15], [sflag:$0x1] =	stream.indirect.gather [hbm4b:s5+s12], $0x20, s10, s12, $0xb8;
	[tilespmem:$0x12800] =	vst v63  }
.Ltmp8:
0x166: {  	_ = 	snop;
	(pc) =	sbr.rel @!p1 .LBB2_8-.Ltmp8, $4  }
.Ltmp9:
0x167: {  	_ = 	snop;
	(pc) =	sbr.rel @p1 .LBB2_9-.Ltmp9, $4  }
0x168: {  	_ =	swait.ge [sflag:s23], $0x1000  }
0x169: {  	[sflag:s23] =	ssyncset.done $0x0  }
0x16a: {  	[sflag:s23] =	ssyncadd.s32 $0xFFFFF000  }
0x16b: {  	_ = 	snop  }
.LBB2_12:
0x16c: {  	_ =	sfence.sel $0x180000  }
0x16d: {  	[bflag:$0x0] =	sbarrier.arrive $0xFFFF  }
0x16e: {  	_ =	strace $0x90000047  }
0x16f: {  	s0 =	stileid.u32;
	[bflag:$0x2] =	sbarrier.arrive $0xFFFF  }
0x170: {  	p0 =	sne.s32 s0, $0x0;
	s0 =	rddreg [dreg:$0x2]  }
0x171: {  	s0 =	sadd.s32 @!p0 $0x100000, s0  }
0x172: {  	[sflag:s0] =	ssyncadd.tile.s32 @!p0 $0x1;
	_ =	shalt  }
.Lfunc_end2:
_tile_overlayer_lowered:
.L_overlay_start_2:
0x173: {  	(tag) =	ssettag $0x2  }
0x174: {  	s0 =	rddreg [dreg:$0x0];
	s2 =	stileid.u32  }
0x175: {  	s1 =	rddreg [dreg:$0x1];
	p0 =	sne.s32 s2, $0x0  }
0x176: {  	s3 =	rddreg [dreg:$0x2];
	[bflag:$0x3] =	sbarrier.arrive $0xFFFF;
	s2 =	simm.s32 @!p0 $0x1C08  }
0x177: {  	[timem:s3], [sflag:s2] =	dma.local @!p0 [hbm:s0], s1  }
0x178: {  	s0 =	simm.s32 @!p0 $0x8  }
0x179: {  	_ =	swait.ge @!p0 [sflag:s0], s1  }
0x17a: {  	s1 =	ssub.s32 @!p0 $0x0, s1;
	[sflag:s0] =	ssyncset.done @!p0 $0x0  }
0x17b: {  	[sflag:s0] =	ssyncadd.s32 @!p0 s1  }
0x17c: {  	[bflag:$0x3] =	sbarrier.arrive $0xFFFF  }
0x17d: {  	_ =	shalt  }

</sc_bundles>
